<compile_context>
chip_gen: v7x
topology: tpu7x:2x2x1
jax: 0.10.2.dev20260603
libtpu: 0.0.44.dev20260713+nightly
codegen_flags: <defaults>
</compile_context>

<pallas_src>
import functools

import jax
import jax.numpy as jnp
from jax import lax
from jax.experimental import pallas as pl
from jax.experimental.pallas import tpu as pltpu
from jax.experimental.pallas import tpu_sc as plsc

_N_NODES = 10000
_N_EDGES = 320000
_D = 128
_DH = 64

_NC = 2
_NS = 16
_CHUNK = 128
_QUAD = 8
_CHUNKS_PER_TILE = 160
_E_PAD = _CHUNKS_PER_TILE * _CHUNK * _NS
_ACC_ROWS = 10240
_ROWS_PER_TILE = _ACC_ROWS // _NS


def _sc_aggregate(sup2, eidx_p):
    mesh = plsc.VectorSubcoreMesh(core_axis_name="c", subcore_axis_name="s")
    npt = _CHUNKS_PER_TILE

    @functools.partial(
        pl.kernel,
        mesh=mesh,
        out_type=jax.ShapeDtypeStruct((_NC, _ACC_ROWS, _DH), jnp.float32),
        scratch_types=[
            pltpu.VMEM_SHARED((_ACC_ROWS, _DH), jnp.float32),
            pltpu.VMEM_SHARED((_ACC_ROWS, _DH), jnp.float32),
            pltpu.VMEM((2 * _QUAD, _CHUNK), jnp.int32),
            pltpu.VMEM((_CHUNK, _DH), jnp.float32),
            pltpu.SemaphoreType.DMA,
        ],
    )
    def sc_agg(sup_hbm, eidx_hbm, out_hbm, sup_sp, acc, eidx, rows, sem):
        c = lax.axis_index("c")
        s = lax.axis_index("s")

        zero = jnp.zeros((16,), jnp.float32)

        def zrow(i, carry):
            for t in range(_DH // 16):
                rows[i, pl.ds(t * 16, 16)] = zero
            return carry

        lax.fori_loop(0, _CHUNK, zrow, 0)

        tbase = s * _ROWS_PER_TILE
        pltpu.sync_copy(
            sup_hbm.at[c].at[pl.ds(tbase, _ROWS_PER_TILE)],
            sup_sp.at[pl.ds(tbase, _ROWS_PER_TILE)],
        )
        for t in range(_ROWS_PER_TILE // _CHUNK):
            pltpu.sync_copy(rows, acc.at[pl.ds(tbase + t * _CHUNK, _CHUNK)])
        plsc.subcore_barrier()

        base = s * (npt // _QUAD)

        def step(q, carry):
            pltpu.sync_copy(eidx_hbm.at[base + q], eidx)
            for t in range(_QUAD):
                pltpu.async_copy(sup_sp.at[eidx.at[2 * t]], rows, sem).wait()
                pltpu.sync_copy(rows, acc.at[eidx.at[2 * t + 1]], add=True)
            return carry

        lax.fori_loop(0, npt // _QUAD, step, 0)
        plsc.subcore_barrier()

        pltpu.sync_copy(
            acc.at[pl.ds(tbase, _ROWS_PER_TILE)],
            out_hbm.at[c].at[pl.ds(tbase, _ROWS_PER_TILE)],
        )

    return sc_agg(sup2, eidx_p)


_MM_BLK = 2048


def _tc_mm_body(x_ref, w_ref, o_ref):
    sup = jnp.dot(x_ref[...], w_ref[...], preferred_element_type=jnp.float32)
    o_ref[0] = sup[:, :_DH]
    o_ref[1] = sup[:, _DH:]


def _tc_matmul_split(xp, w):
    return pl.pallas_call(
        _tc_mm_body,
        grid=(_ACC_ROWS // _MM_BLK,),
        in_specs=[
            pl.BlockSpec((_MM_BLK, _D), lambda i: (i, 0)),
            pl.BlockSpec((_D, _D), lambda i: (0, 0)),
        ],
        out_specs=pl.BlockSpec((_NC, _MM_BLK, _DH), lambda i: (0, i, 0)),
        out_shape=jax.ShapeDtypeStruct((_NC, _ACC_ROWS, _DH), jnp.float32),
    )(xp, w)


_BLK = 2000


def _tc_cat_body(p_ref, o_ref):
    o_ref[:, :_DH] = p_ref[0]
    o_ref[:, _DH:] = p_ref[1]


def _tc_combine(partials):
    return pl.pallas_call(
        _tc_cat_body,
        grid=(_N_NODES // _BLK,),
        in_specs=[pl.BlockSpec((_NC, _BLK, _DH), lambda i: (0, i, 0))],
        out_specs=pl.BlockSpec((_BLK, _D), lambda i: (i, 0)),
        out_shape=jax.ShapeDtypeStruct((_N_NODES, _D), jnp.float32),
    )(partials)


def kernel(x, edge_index, weight_low):
    src = edge_index[0]
    dst = edge_index[1]
    pad = _E_PAD - _N_EDGES
    src_p = jnp.concatenate([src, jnp.zeros((pad,), jnp.int32)])
    dst_p = jnp.concatenate([dst, jnp.full((pad,), _N_NODES, jnp.int32)])
    nq = _NS * (_CHUNKS_PER_TILE // _QUAD)
    eidx_p = jnp.stack(
        [src_p.reshape(nq, _QUAD, _CHUNK), dst_p.reshape(nq, _QUAD, _CHUNK)],
        axis=2,
    ).reshape(nq, 2 * _QUAD, _CHUNK)
    xp = jnp.pad(x, ((0, _ACC_ROWS - _N_NODES), (0, 0)))
    sup2 = _tc_matmul_split(xp, weight_low)
    partials = _sc_aggregate(sup2, eidx_p)
    return _tc_combine(partials)

# --- scband reference (transcript-rebuilt; emitter-appended) ---
"""Pipeline reference for scband-graph-convolution-22041772163509 (READ-ONLY COPY).

The authoritative reference and input builder live on the scoring server;
editing this copy changes nothing except your own understanding.
"""

import jax, jax.numpy as jnp
import numpy as np

N_NODES = 10000
N_EDGES = 320000
D_IN = 128
D_OUT = 128


def setup_inputs(seed: int = 0) -> dict:
    key = jax.random.key(seed)
    k1, k2, k3 = jax.random.split(key, 3)
    x = jax.random.normal(k1, (N_NODES, D_IN), dtype=jnp.float32)
    edge_index = jax.random.randint(k2, (2, N_EDGES), 0, N_NODES, dtype=jnp.int32)
    stdv = 1.0 / np.sqrt(D_OUT)
    weight_low = jax.random.uniform(k3, (D_IN, D_OUT), minval=-stdv, maxval=stdv, dtype=jnp.float32)
    return {"x": x, "edge_index": edge_index, "weight_low": weight_low}


def reference(x, edge_index, weight_low):
    # support_low = input @ weight_low
    support_low = x @ weight_low
    # output_low = spmm(adj, support_low): adjacency represented as COO edge list
    # adj[dst, src] = 1 -> out[dst] = sum_{(src,dst) in E} support_low[src]
    src = edge_index[0]
    dst = edge_index[1]
    msgs = jnp.take(support_low, src, axis=0)
    output_low = jax.ops.segment_sum(msgs, dst, num_segments=N_NODES)
    return output_low

if __name__ == "__main__":
    import jax
    _d = setup_inputs()
    print(jax.jit(kernel)(*tuple(_d.values())))

</pallas_src>

<mosaic_0001>
#map = affine_map<(d0, d1) -> (0, 0, 0)>
module attributes {stable_mosaic.version = 14 : i64} {
  func.func @sc_agg(%arg0: i32, %arg1: i32, %arg2: memref<2x10240x64xf32, #tpu.memory_space<hbm>>, %arg3: memref<320x16x128xi32, #tpu.memory_space<hbm>>, %arg4: memref<2x10240x64xf32, #tpu.memory_space<hbm>>, %arg5: memref<10240x64xf32, #tpu.memory_space<vmem_shared>>, %arg6: memref<10240x64xf32, #tpu.memory_space<vmem_shared>>, %arg7: memref<16x128xi32, #tpu.memory_space<vmem>>, %arg8: memref<128x64xf32, #tpu.memory_space<vmem>>, %arg9: memref<!tpu.dma_semaphore, #tpu.memory_space<semaphore_mem>>) attributes {dimension_semantics = [#tpu.dimension_semantics<core_parallel>, #tpu.dimension_semantics<subcore_parallel>], iteration_bounds = array<i64: 2, 16>, scalar_prefetch = 0 : i64, scratch_operands = 5 : i64, tpu.core_type = #tpu.core_type<sc_vector_subcore>, window_params = [{transform_indices = #map}, {transform_indices = #map}, {transform_indices = #map}]} {
    %broadcast_in_dim3A = arith.constant 0.000000e+00 : f32
    %broadcast_in_dim3A_0 = vector.broadcast %broadcast_in_dim3A : f32 to vector<16xf32>
    %scan3A = arith.constant 0 : i32
    %scan3A_1 = arith.constant 0 : i32
    %scan3A_2 = arith.constant 128 : i32
    %scan3A_3 = arith.addi %scan3A_1, %scan3A_2 : i32
    %scan3A_4 = arith.constant 1 : i32
    scf.for %scan3A_25 = %scan3A_1 to %scan3A_3 step %scan3A_4  : i32 {
      %swap3A = arith.index_cast %scan3A_25 : i32 to index
      %swap3A_26 = arith.constant 0 : index
      %swap3A_27 = tpu.vector_load %arg8[%swap3A, %swap3A_26] {strides = array<i32>} : memref<128x64xf32, #tpu.memory_space<vmem>>, vector<1x16xf32>,
      %swap3A_28 = vector.shape_cast %swap3A_27 : vector<1x16xf32> to vector<16xf32>
      %swap3A_29 = vector.shape_cast %broadcast_in_dim3A_0 : vector<16xf32> to vector<1x16xf32>
      tpu.vector_store %arg8[%swap3A, %swap3A_26], %swap3A_29 {strides = array<i32>} : memref<128x64xf32, #tpu.memory_space<vmem>>, vector<1x16xf32>,
      %swap3A_30 = arith.index_cast %scan3A_25 : i32 to index
      %swap3A_31 = arith.constant 16 : index
      %swap3A_32 = tpu.vector_load %arg8[%swap3A_30, %swap3A_31] {strides = array<i32>} : memref<128x64xf32, #tpu.memory_space<vmem>>, vector<1x16xf32>,
      %swap3A_33 = vector.shape_cast %swap3A_32 : vector<1x16xf32> to vector<16xf32>
      %swap3A_34 = vector.shape_cast %broadcast_in_dim3A_0 : vector<16xf32> to vector<1x16xf32>
      tpu.vector_store %arg8[%swap3A_30, %swap3A_31], %swap3A_34 {strides = array<i32>} : memref<128x64xf32, #tpu.memory_space<vmem>>, vector<1x16xf32>,
      %swap3A_35 = arith.index_cast %scan3A_25 : i32 to index
      %swap3A_36 = arith.constant 32 : index
      %swap3A_37 = tpu.vector_load %arg8[%swap3A_35, %swap3A_36] {strides = array<i32>} : memref<128x64xf32, #tpu.memory_space<vmem>>, vector<1x16xf32>,
      %swap3A_38 = vector.shape_cast %swap3A_37 : vector<1x16xf32> to vector<16xf32>
      %swap3A_39 = vector.shape_cast %broadcast_in_dim3A_0 : vector<16xf32> to vector<1x16xf32>
      tpu.vector_store %arg8[%swap3A_35, %swap3A_36], %swap3A_39 {strides = array<i32>} : memref<128x64xf32, #tpu.memory_space<vmem>>, vector<1x16xf32>,
      %swap3A_40 = arith.index_cast %scan3A_25 : i32 to index
      %swap3A_41 = arith.constant 48 : index
      %swap3A_42 = tpu.vector_load %arg8[%swap3A_40, %swap3A_41] {strides = array<i32>} : memref<128x64xf32, #tpu.memory_space<vmem>>, vector<1x16xf32>,
      %swap3A_43 = vector.shape_cast %swap3A_42 : vector<1x16xf32> to vector<16xf32>
      %swap3A_44 = vector.shape_cast %broadcast_in_dim3A_0 : vector<16xf32> to vector<1x16xf32>
      tpu.vector_store %arg8[%swap3A_40, %swap3A_41], %swap3A_44 {strides = array<i32>} : memref<128x64xf32, #tpu.memory_space<vmem>>, vector<1x16xf32>,
    }
    %scan3A_5 = arith.constant 128 : i32
    %mul3A = arith.constant 640 : i32
    %mul3A_6 = arith.muli %arg1, %mul3A : i32
    "tpu.region"() ({
      %run_scoped3A = tpu.sem_alloc : memref<!tpu.dma_semaphore, #tpu.memory_space<semaphore_mem>>
      %dma_start3A = arith.constant 0 : i32
      %dma_start3A_25 = tpu.memref_slice %arg5[%mul3A_6, %dma_start3A] : memref<10240x64xf32, #tpu.memory_space<vmem_shared>> -> memref<640x64xf32, #tpu.memory_space<vmem_shared>>
      %dma_start3A_26 = arith.constant 0 : i32
      %dma_start3A_27 = arith.constant 0 : i32
      %dma_start3A_28 = tpu.memref_slice %arg2[%arg0, %dma_start3A_26, %dma_start3A_27] : memref<2x10240x64xf32, #tpu.memory_space<hbm>> -> memref<1x10240x64xf32, #tpu.memory_space<hbm>>
      %dma_start3A_29 = tpu.memref_squeeze %dma_start3A_28 : memref<1x10240x64xf32, #tpu.memory_space<hbm>> -> memref<10240x64xf32, #tpu.memory_space<hbm>>
      %dma_start3A_30 = arith.constant 0 : i32
      %dma_start3A_31 = tpu.memref_slice %dma_start3A_29[%mul3A_6, %dma_start3A_30] : memref<10240x64xf32, #tpu.memory_space<hbm>> -> memref<640x64xf32, #tpu.memory_space<hbm>>
      tpu.enqueue_dma source(%dma_start3A_31 : memref<640x64xf32, #tpu.memory_space<hbm>>) target(%dma_start3A_25 : memref<640x64xf32, #tpu.memory_space<vmem_shared>>) target_semaphore(%run_scoped3A : memref<!tpu.dma_semaphore, #tpu.memory_space<semaphore_mem>>)
      %dma_wait3A = arith.constant 0 : i32
      %dma_wait3A_32 = tpu.memref_slice %arg5[%mul3A_6, %dma_wait3A] : memref<10240x64xf32, #tpu.memory_space<vmem_shared>> -> memref<640x64xf32, #tpu.memory_space<vmem_shared>>
      %dma_wait3A_33 = arith.constant 0 : i32
      %dma_wait3A_34 = arith.constant 0 : i32
      %dma_wait3A_35 = tpu.memref_slice %arg2[%arg0, %dma_wait3A_33, %dma_wait3A_34] : memref<2x10240x64xf32, #tpu.memory_space<hbm>> -> memref<1x10240x64xf32, #tpu.memory_space<hbm>>
      %dma_wait3A_36 = tpu.memref_squeeze %dma_wait3A_35 : memref<1x10240x64xf32, #tpu.memory_space<hbm>> -> memref<10240x64xf32, #tpu.memory_space<hbm>>
      %dma_wait3A_37 = arith.constant 0 : i32
      %dma_wait3A_38 = tpu.memref_slice %dma_wait3A_36[%mul3A_6, %dma_wait3A_37] : memref<10240x64xf32, #tpu.memory_space<hbm>> -> memref<640x64xf32, #tpu.memory_space<hbm>>
      tpu.wait_dma2 semaphore(%run_scoped3A : memref<!tpu.dma_semaphore, #tpu.memory_space<semaphore_mem>>) src(%dma_wait3A_38 : memref<640x64xf32, #tpu.memory_space<hbm>>) dst(%dma_wait3A_32 : memref<640x64xf32, #tpu.memory_space<vmem_shared>>)
      tpu.yield
    }) : () -> ()
    %add3A = arith.constant 0 : i32
    %add3A_7 = arith.addi %mul3A_6, %add3A : i32
    "tpu.region"() ({
      %run_scoped3A = tpu.sem_alloc : memref<!tpu.dma_semaphore, #tpu.memory_space<semaphore_mem>>
      %dma_start3A = arith.constant 0 : i32
      %dma_start3A_25 = tpu.memref_slice %arg6[%add3A_7, %dma_start3A] : memref<10240x64xf32, #tpu.memory_space<vmem_shared>> -> memref<128x64xf32, #tpu.memory_space<vmem_shared>>
      %dma_start3A_26 = arith.constant 0 : i32
      %dma_start3A_27 = tpu.memref_slice %arg6[%add3A_7, %dma_start3A_26] : memref<10240x64xf32, #tpu.memory_space<vmem_shared>> -> memref<128x64xf32, #tpu.memory_space<vmem_shared>>
      tpu.enqueue_dma source(%arg8 : memref<128x64xf32, #tpu.memory_space<vmem>>) target(%dma_start3A_27 : memref<128x64xf32, #tpu.memory_space<vmem_shared>>) target_semaphore(%run_scoped3A : memref<!tpu.dma_semaphore, #tpu.memory_space<semaphore_mem>>)
      %dma_wait3A = arith.constant 0 : i32
      %dma_wait3A_28 = tpu.memref_slice %arg6[%add3A_7, %dma_wait3A] : memref<10240x64xf32, #tpu.memory_space<vmem_shared>> -> memref<128x64xf32, #tpu.memory_space<vmem_shared>>
      %dma_wait3A_29 = arith.constant 0 : i32
      %dma_wait3A_30 = tpu.memref_slice %arg6[%add3A_7, %dma_wait3A_29] : memref<10240x64xf32, #tpu.memory_space<vmem_shared>> -> memref<128x64xf32, #tpu.memory_space<vmem_shared>>
      tpu.wait_dma2 semaphore(%run_scoped3A : memref<!tpu.dma_semaphore, #tpu.memory_space<semaphore_mem>>) src(%arg8 : memref<128x64xf32, #tpu.memory_space<vmem>>) dst(%dma_wait3A_30 : memref<128x64xf32, #tpu.memory_space<vmem_shared>>)
      tpu.yield
    }) : () -> ()
    %add3A_8 = arith.constant 128 : i32
    %add3A_9 = arith.addi %mul3A_6, %add3A_8 : i32
    "tpu.region"() ({
      %run_scoped3A = tpu.sem_alloc : memref<!tpu.dma_semaphore, #tpu.memory_space<semaphore_mem>>
      %dma_start3A = arith.constant 0 : i32
      %dma_start3A_25 = tpu.memref_slice %arg6[%add3A_9, %dma_start3A] : memref<10240x64xf32, #tpu.memory_space<vmem_shared>> -> memref<128x64xf32, #tpu.memory_space<vmem_shared>>
      %dma_start3A_26 = arith.constant 0 : i32
      %dma_start3A_27 = tpu.memref_slice %arg6[%add3A_9, %dma_start3A_26] : memref<10240x64xf32, #tpu.memory_space<vmem_shared>> -> memref<128x64xf32, #tpu.memory_space<vmem_shared>>
      tpu.enqueue_dma source(%arg8 : memref<128x64xf32, #tpu.memory_space<vmem>>) target(%dma_start3A_27 : memref<128x64xf32, #tpu.memory_space<vmem_shared>>) target_semaphore(%run_scoped3A : memref<!tpu.dma_semaphore, #tpu.memory_space<semaphore_mem>>)
      %dma_wait3A = arith.constant 0 : i32
      %dma_wait3A_28 = tpu.memref_slice %arg6[%add3A_9, %dma_wait3A] : memref<10240x64xf32, #tpu.memory_space<vmem_shared>> -> memref<128x64xf32, #tpu.memory_space<vmem_shared>>
      %dma_wait3A_29 = arith.constant 0 : i32
      %dma_wait3A_30 = tpu.memref_slice %arg6[%add3A_9, %dma_wait3A_29] : memref<10240x64xf32, #tpu.memory_space<vmem_shared>> -> memref<128x64xf32, #tpu.memory_space<vmem_shared>>
      tpu.wait_dma2 semaphore(%run_scoped3A : memref<!tpu.dma_semaphore, #tpu.memory_space<semaphore_mem>>) src(%arg8 : memref<128x64xf32, #tpu.memory_space<vmem>>) dst(%dma_wait3A_30 : memref<128x64xf32, #tpu.memory_space<vmem_shared>>)
      tpu.yield
    }) : () -> ()
    %add3A_10 = arith.constant 256 : i32
    %add3A_11 = arith.addi %mul3A_6, %add3A_10 : i32
    "tpu.region"() ({
      %run_scoped3A = tpu.sem_alloc : memref<!tpu.dma_semaphore, #tpu.memory_space<semaphore_mem>>
      %dma_start3A = arith.constant 0 : i32
      %dma_start3A_25 = tpu.memref_slice %arg6[%add3A_11, %dma_start3A] : memref<10240x64xf32, #tpu.memory_space<vmem_shared>> -> memref<128x64xf32, #tpu.memory_space<vmem_shared>>
      %dma_start3A_26 = arith.constant 0 : i32
      %dma_start3A_27 = tpu.memref_slice %arg6[%add3A_11, %dma_start3A_26] : memref<10240x64xf32, #tpu.memory_space<vmem_shared>> -> memref<128x64xf32, #tpu.memory_space<vmem_shared>>
      tpu.enqueue_dma source(%arg8 : memref<128x64xf32, #tpu.memory_space<vmem>>) target(%dma_start3A_27 : memref<128x64xf32, #tpu.memory_space<vmem_shared>>) target_semaphore(%run_scoped3A : memref<!tpu.dma_semaphore, #tpu.memory_space<semaphore_mem>>)
      %dma_wait3A = arith.constant 0 : i32
      %dma_wait3A_28 = tpu.memref_slice %arg6[%add3A_11, %dma_wait3A] : memref<10240x64xf32, #tpu.memory_space<vmem_shared>> -> memref<128x64xf32, #tpu.memory_space<vmem_shared>>
      %dma_wait3A_29 = arith.constant 0 : i32
      %dma_wait3A_30 = tpu.memref_slice %arg6[%add3A_11, %dma_wait3A_29] : memref<10240x64xf32, #tpu.memory_space<vmem_shared>> -> memref<128x64xf32, #tpu.memory_space<vmem_shared>>
      tpu.wait_dma2 semaphore(%run_scoped3A : memref<!tpu.dma_semaphore, #tpu.memory_space<semaphore_mem>>) src(%arg8 : memref<128x64xf32, #tpu.memory_space<vmem>>) dst(%dma_wait3A_30 : memref<128x64xf32, #tpu.memory_space<vmem_shared>>)
      tpu.yield
    }) : () -> ()
    %add3A_12 = arith.constant 384 : i32
    %add3A_13 = arith.addi %mul3A_6, %add3A_12 : i32
    "tpu.region"() ({
      %run_scoped3A = tpu.sem_alloc : memref<!tpu.dma_semaphore, #tpu.memory_space<semaphore_mem>>
      %dma_start3A = arith.constant 0 : i32
      %dma_start3A_25 = tpu.memref_slice %arg6[%add3A_13, %dma_start3A] : memref<10240x64xf32, #tpu.memory_space<vmem_shared>> -> memref<128x64xf32, #tpu.memory_space<vmem_shared>>
      %dma_start3A_26 = arith.constant 0 : i32
      %dma_start3A_27 = tpu.memref_slice %arg6[%add3A_13, %dma_start3A_26] : memref<10240x64xf32, #tpu.memory_space<vmem_shared>> -> memref<128x64xf32, #tpu.memory_space<vmem_shared>>
      tpu.enqueue_dma source(%arg8 : memref<128x64xf32, #tpu.memory_space<vmem>>) target(%dma_start3A_27 : memref<128x64xf32, #tpu.memory_space<vmem_shared>>) target_semaphore(%run_scoped3A : memref<!tpu.dma_semaphore, #tpu.memory_space<semaphore_mem>>)
      %dma_wait3A = arith.constant 0 : i32
      %dma_wait3A_28 = tpu.memref_slice %arg6[%add3A_13, %dma_wait3A] : memref<10240x64xf32, #tpu.memory_space<vmem_shared>> -> memref<128x64xf32, #tpu.memory_space<vmem_shared>>
      %dma_wait3A_29 = arith.constant 0 : i32
      %dma_wait3A_30 = tpu.memref_slice %arg6[%add3A_13, %dma_wait3A_29] : memref<10240x64xf32, #tpu.memory_space<vmem_shared>> -> memref<128x64xf32, #tpu.memory_space<vmem_shared>>
      tpu.wait_dma2 semaphore(%run_scoped3A : memref<!tpu.dma_semaphore, #tpu.memory_space<semaphore_mem>>) src(%arg8 : memref<128x64xf32, #tpu.memory_space<vmem>>) dst(%dma_wait3A_30 : memref<128x64xf32, #tpu.memory_space<vmem_shared>>)
      tpu.yield
    }) : () -> ()
    %add3A_14 = arith.constant 512 : i32
    %add3A_15 = arith.addi %mul3A_6, %add3A_14 : i32
    "tpu.region"() ({
      %run_scoped3A = tpu.sem_alloc : memref<!tpu.dma_semaphore, #tpu.memory_space<semaphore_mem>>
      %dma_start3A = arith.constant 0 : i32
      %dma_start3A_25 = tpu.memref_slice %arg6[%add3A_15, %dma_start3A] : memref<10240x64xf32, #tpu.memory_space<vmem_shared>> -> memref<128x64xf32, #tpu.memory_space<vmem_shared>>
      %dma_start3A_26 = arith.constant 0 : i32
      %dma_start3A_27 = tpu.memref_slice %arg6[%add3A_15, %dma_start3A_26] : memref<10240x64xf32, #tpu.memory_space<vmem_shared>> -> memref<128x64xf32, #tpu.memory_space<vmem_shared>>
      tpu.enqueue_dma source(%arg8 : memref<128x64xf32, #tpu.memory_space<vmem>>) target(%dma_start3A_27 : memref<128x64xf32, #tpu.memory_space<vmem_shared>>) target_semaphore(%run_scoped3A : memref<!tpu.dma_semaphore, #tpu.memory_space<semaphore_mem>>)
      %dma_wait3A = arith.constant 0 : i32
      %dma_wait3A_28 = tpu.memref_slice %arg6[%add3A_15, %dma_wait3A] : memref<10240x64xf32, #tpu.memory_space<vmem_shared>> -> memref<128x64xf32, #tpu.memory_space<vmem_shared>>
      %dma_wait3A_29 = arith.constant 0 : i32
      %dma_wait3A_30 = tpu.memref_slice %arg6[%add3A_15, %dma_wait3A_29] : memref<10240x64xf32, #tpu.memory_space<vmem_shared>> -> memref<128x64xf32, #tpu.memory_space<vmem_shared>>
      tpu.wait_dma2 semaphore(%run_scoped3A : memref<!tpu.dma_semaphore, #tpu.memory_space<semaphore_mem>>) src(%arg8 : memref<128x64xf32, #tpu.memory_space<vmem>>) dst(%dma_wait3A_30 : memref<128x64xf32, #tpu.memory_space<vmem_shared>>)
      tpu.yield
    }) : () -> ()
    %barrier3A = arith.constant 0 : index
    tpu.barrier barrier_id(%barrier3A)
    %mul3A_16 = arith.constant 20 : i32
    %mul3A_17 = arith.muli %arg1, %mul3A_16 : i32
    %scan3A_18 = arith.constant 0 : i32
    %scan3A_19 = arith.constant 0 : i32
    %scan3A_20 = arith.constant 20 : i32
    %scan3A_21 = arith.addi %scan3A_19, %scan3A_20 : i32
    %scan3A_22 = arith.constant 1 : i32
    scf.for %scan3A_25 = %scan3A_19 to %scan3A_21 step %scan3A_22  : i32 {
      %add3A_26 = arith.addi %mul3A_17, %scan3A_25 : i32
      "tpu.region"() ({
        %run_scoped3A_144 = tpu.sem_alloc : memref<!tpu.dma_semaphore, #tpu.memory_space<semaphore_mem>>
        %dma_start3A_145 = arith.constant 0 : i32
        %dma_start3A_146 = arith.constant 0 : i32
        %dma_start3A_147 = tpu.memref_slice %arg3[%add3A_26, %dma_start3A_145, %dma_start3A_146] : memref<320x16x128xi32, #tpu.memory_space<hbm>> -> memref<1x16x128xi32, #tpu.memory_space<hbm>>
        %dma_start3A_148 = tpu.memref_squeeze %dma_start3A_147 : memref<1x16x128xi32, #tpu.memory_space<hbm>> -> memref<16x128xi32, #tpu.memory_space<hbm>>
        %dma_start3A_149 = arith.constant 0 : i32
        %dma_start3A_150 = arith.constant 0 : i32
        %dma_start3A_151 = tpu.memref_slice %arg3[%add3A_26, %dma_start3A_149, %dma_start3A_150] : memref<320x16x128xi32, #tpu.memory_space<hbm>> -> memref<1x16x128xi32, #tpu.memory_space<hbm>>
        %dma_start3A_152 = tpu.memref_squeeze %dma_start3A_151 : memref<1x16x128xi32, #tpu.memory_space<hbm>> -> memref<16x128xi32, #tpu.memory_space<hbm>>
        tpu.enqueue_dma source(%dma_start3A_152 : memref<16x128xi32, #tpu.memory_space<hbm>>) target(%arg7 : memref<16x128xi32, #tpu.memory_space<vmem>>) target_semaphore(%run_scoped3A_144 : memref<!tpu.dma_semaphore, #tpu.memory_space<semaphore_mem>>)
        %dma_wait3A_153 = arith.constant 0 : i32
        %dma_wait3A_154 = arith.constant 0 : i32
        %dma_wait3A_155 = tpu.memref_slice %arg3[%add3A_26, %dma_wait3A_153, %dma_wait3A_154] : memref<320x16x128xi32, #tpu.memory_space<hbm>> -> memref<1x16x128xi32, #tpu.memory_space<hbm>>
        %dma_wait3A_156 = tpu.memref_squeeze %dma_wait3A_155 : memref<1x16x128xi32, #tpu.memory_space<hbm>> -> memref<16x128xi32, #tpu.memory_space<hbm>>
        %dma_wait3A_157 = arith.constant 0 : i32
        %dma_wait3A_158 = arith.constant 0 : i32
        %dma_wait3A_159 = tpu.memref_slice %arg3[%add3A_26, %dma_wait3A_157, %dma_wait3A_158] : memref<320x16x128xi32, #tpu.memory_space<hbm>> -> memref<1x16x128xi32, #tpu.memory_space<hbm>>
        %dma_wait3A_160 = tpu.memref_squeeze %dma_wait3A_159 : memref<1x16x128xi32, #tpu.memory_space<hbm>> -> memref<16x128xi32, #tpu.memory_space<hbm>>
        tpu.wait_dma2 semaphore(%run_scoped3A_144 : memref<!tpu.dma_semaphore, #tpu.memory_space<semaphore_mem>>) src(%dma_wait3A_160 : memref<16x128xi32, #tpu.memory_space<hbm>>) dst(%arg7 : memref<16x128xi32, #tpu.memory_space<vmem>>)
        tpu.yield
      }) : () -> ()
      %dma_start3A = arith.constant 0 : i32
      %dma_start3A_27 = arith.constant 0 : i32
      %dma_start3A_28 = tpu.memref_slice %arg7[%dma_start3A, %dma_start3A_27] : memref<16x128xi32, #tpu.memory_space<vmem>> -> memref<1x128xi32, #tpu.memory_space<vmem>>
      %dma_start3A_29 = tpu.memref_squeeze %dma_start3A_28 : memref<1x128xi32, #tpu.memory_space<vmem>> -> memref<128xi32, #tpu.memory_space<vmem>>
      %dma_start3A_30 = arith.constant 0 : i32
      %dma_start3A_31 = arith.constant 0 : i32
      %dma_start3A_32 = tpu.memref_slice %arg5[%dma_start3A_30, %dma_start3A_31] : memref<10240x64xf32, #tpu.memory_space<vmem_shared>> -> memref<10240x64xf32, #tpu.memory_space<vmem_shared>>
      tpu.enqueue_indirect_dma source(%dma_start3A_32 : memref<10240x64xf32, #tpu.memory_space<vmem_shared>>) target(%arg8 : memref<128x64xf32, #tpu.memory_space<vmem>>) offsets(%dma_start3A_29 : memref<128xi32, #tpu.memory_space<vmem>>) semaphore(%arg9 : memref<!tpu.dma_semaphore, #tpu.memory_space<semaphore_mem>>)
      %dma_wait3A = arith.constant 0 : i32
      %dma_wait3A_33 = arith.constant 0 : i32
      %dma_wait3A_34 = tpu.memref_slice %arg7[%dma_wait3A, %dma_wait3A_33] : memref<16x128xi32, #tpu.memory_space<vmem>> -> memref<1x128xi32, #tpu.memory_space<vmem>>
      %dma_wait3A_35 = tpu.memref_squeeze %dma_wait3A_34 : memref<1x128xi32, #tpu.memory_space<vmem>> -> memref<128xi32, #tpu.memory_space<vmem>>
      %dma_wait3A_36 = arith.constant 0 : i32
      %dma_wait3A_37 = arith.constant 0 : i32
      %dma_wait3A_38 = tpu.memref_slice %arg5[%dma_wait3A_36, %dma_wait3A_37] : memref<10240x64xf32, #tpu.memory_space<vmem_shared>> -> memref<10240x64xf32, #tpu.memory_space<vmem_shared>>
      tpu.wait_indirect_dma semaphore(%arg9 : memref<!tpu.dma_semaphore, #tpu.memory_space<semaphore_mem>>) src(%dma_wait3A_38 : memref<10240x64xf32, #tpu.memory_space<vmem_shared>>) dst(%arg8 : memref<128x64xf32, #tpu.memory_space<vmem>>)
      %run_scoped3A = arith.constant 1 : i32
      "tpu.region"() ({
        %run_scoped3A_144 = tpu.sem_alloc : memref<!tpu.dma_semaphore, #tpu.memory_space<semaphore_mem>>
        %dma_start3A_145 = arith.constant 0 : i32
        %dma_start3A_146 = tpu.memref_slice %arg7[%run_scoped3A, %dma_start3A_145] : memref<16x128xi32, #tpu.memory_space<vmem>> -> memref<1x128xi32, #tpu.memory_space<vmem>>
        %dma_start3A_147 = tpu.memref_squeeze %dma_start3A_146 : memref<1x128xi32, #tpu.memory_space<vmem>> -> memref<128xi32, #tpu.memory_space<vmem>>
        %dma_start3A_148 = arith.constant 0 : i32
        %dma_start3A_149 = arith.constant 0 : i32
        %dma_start3A_150 = tpu.memref_slice %arg6[%dma_start3A_148, %dma_start3A_149] : memref<10240x64xf32, #tpu.memory_space<vmem_shared>> -> memref<10240x64xf32, #tpu.memory_space<vmem_shared>>
        tpu.enqueue_indirect_dma source(%arg8 : memref<128x64xf32, #tpu.memory_space<vmem>>) target(%dma_start3A_150 : memref<10240x64xf32, #tpu.memory_space<vmem_shared>>) offsets(%dma_start3A_147 : memref<128xi32, #tpu.memory_space<vmem>>) semaphore(%run_scoped3A_144 : memref<!tpu.dma_semaphore, #tpu.memory_space<semaphore_mem>>) {add = true}
        %dma_wait3A_151 = arith.constant 0 : i32
        %dma_wait3A_152 = tpu.memref_slice %arg7[%run_scoped3A, %dma_wait3A_151] : memref<16x128xi32, #tpu.memory_space<vmem>> -> memref<1x128xi32, #tpu.memory_space<vmem>>
        %dma_wait3A_153 = tpu.memref_squeeze %dma_wait3A_152 : memref<1x128xi32, #tpu.memory_space<vmem>> -> memref<128xi32, #tpu.memory_space<vmem>>
        %dma_wait3A_154 = arith.constant 0 : i32
        %dma_wait3A_155 = arith.constant 0 : i32
        %dma_wait3A_156 = tpu.memref_slice %arg6[%dma_wait3A_154, %dma_wait3A_155] : memref<10240x64xf32, #tpu.memory_space<vmem_shared>> -> memref<10240x64xf32, #tpu.memory_space<vmem_shared>>
        tpu.wait_indirect_dma semaphore(%run_scoped3A_144 : memref<!tpu.dma_semaphore, #tpu.memory_space<semaphore_mem>>) src(%arg8 : memref<128x64xf32, #tpu.memory_space<vmem>>) dst(%dma_wait3A_156 : memref<10240x64xf32, #tpu.memory_space<vmem_shared>>)
        tpu.yield
      }) : () -> ()
      %dma_start3A_39 = arith.constant 2 : i32
      %dma_start3A_40 = arith.constant 0 : i32
      %dma_start3A_41 = tpu.memref_slice %arg7[%dma_start3A_39, %dma_start3A_40] : memref<16x128xi32, #tpu.memory_space<vmem>> -> memref<1x128xi32, #tpu.memory_space<vmem>>
      %dma_start3A_42 = tpu.memref_squeeze %dma_start3A_41 : memref<1x128xi32, #tpu.memory_space<vmem>> -> memref<128xi32, #tpu.memory_space<vmem>>
      %dma_start3A_43 = arith.constant 0 : i32
      %dma_start3A_44 = arith.constant 0 : i32
      %dma_start3A_45 = tpu.memref_slice %arg5[%dma_start3A_43, %dma_start3A_44] : memref<10240x64xf32, #tpu.memory_space<vmem_shared>> -> memref<10240x64xf32, #tpu.memory_space<vmem_shared>>
      tpu.enqueue_indirect_dma source(%dma_start3A_45 : memref<10240x64xf32, #tpu.memory_space<vmem_shared>>) target(%arg8 : memref<128x64xf32, #tpu.memory_space<vmem>>) offsets(%dma_start3A_42 : memref<128xi32, #tpu.memory_space<vmem>>) semaphore(%arg9 : memref<!tpu.dma_semaphore, #tpu.memory_space<semaphore_mem>>)
      %dma_wait3A_46 = arith.constant 2 : i32
      %dma_wait3A_47 = arith.constant 0 : i32
      %dma_wait3A_48 = tpu.memref_slice %arg7[%dma_wait3A_46, %dma_wait3A_47] : memref<16x128xi32, #tpu.memory_space<vmem>> -> memref<1x128xi32, #tpu.memory_space<vmem>>
      %dma_wait3A_49 = tpu.memref_squeeze %dma_wait3A_48 : memref<1x128xi32, #tpu.memory_space<vmem>> -> memref<128xi32, #tpu.memory_space<vmem>>
      %dma_wait3A_50 = arith.constant 0 : i32
      %dma_wait3A_51 = arith.constant 0 : i32
      %dma_wait3A_52 = tpu.memref_slice %arg5[%dma_wait3A_50, %dma_wait3A_51] : memref<10240x64xf32, #tpu.memory_space<vmem_shared>> -> memref<10240x64xf32, #tpu.memory_space<vmem_shared>>
      tpu.wait_indirect_dma semaphore(%arg9 : memref<!tpu.dma_semaphore, #tpu.memory_space<semaphore_mem>>) src(%dma_wait3A_52 : memref<10240x64xf32, #tpu.memory_space<vmem_shared>>) dst(%arg8 : memref<128x64xf32, #tpu.memory_space<vmem>>)
      %run_scoped3A_53 = arith.constant 3 : i32
      "tpu.region"() ({
        %run_scoped3A_144 = tpu.sem_alloc : memref<!tpu.dma_semaphore, #tpu.memory_space<semaphore_mem>>
        %dma_start3A_145 = arith.constant 0 : i32
        %dma_start3A_146 = tpu.memref_slice %arg7[%run_scoped3A_53, %dma_start3A_145] : memref<16x128xi32, #tpu.memory_space<vmem>> -> memref<1x128xi32, #tpu.memory_space<vmem>>
        %dma_start3A_147 = tpu.memref_squeeze %dma_start3A_146 : memref<1x128xi32, #tpu.memory_space<vmem>> -> memref<128xi32, #tpu.memory_space<vmem>>
        %dma_start3A_148 = arith.constant 0 : i32
        %dma_start3A_149 = arith.constant 0 : i32
        %dma_start3A_150 = tpu.memref_slice %arg6[%dma_start3A_148, %dma_start3A_149] : memref<10240x64xf32, #tpu.memory_space<vmem_shared>> -> memref<10240x64xf32, #tpu.memory_space<vmem_shared>>
        tpu.enqueue_indirect_dma source(%arg8 : memref<128x64xf32, #tpu.memory_space<vmem>>) target(%dma_start3A_150 : memref<10240x64xf32, #tpu.memory_space<vmem_shared>>) offsets(%dma_start3A_147 : memref<128xi32, #tpu.memory_space<vmem>>) semaphore(%run_scoped3A_144 : memref<!tpu.dma_semaphore, #tpu.memory_space<semaphore_mem>>) {add = true}
        %dma_wait3A_151 = arith.constant 0 : i32
        %dma_wait3A_152 = tpu.memref_slice %arg7[%run_scoped3A_53, %dma_wait3A_151] : memref<16x128xi32, #tpu.memory_space<vmem>> -> memref<1x128xi32, #tpu.memory_space<vmem>>
        %dma_wait3A_153 = tpu.memref_squeeze %dma_wait3A_152 : memref<1x128xi32, #tpu.memory_space<vmem>> -> memref<128xi32, #tpu.memory_space<vmem>>
        %dma_wait3A_154 = arith.constant 0 : i32
        %dma_wait3A_155 = arith.constant 0 : i32
        %dma_wait3A_156 = tpu.memref_slice %arg6[%dma_wait3A_154, %dma_wait3A_155] : memref<10240x64xf32, #tpu.memory_space<vmem_shared>> -> memref<10240x64xf32, #tpu.memory_space<vmem_shared>>
        tpu.wait_indirect_dma semaphore(%run_scoped3A_144 : memref<!tpu.dma_semaphore, #tpu.memory_space<semaphore_mem>>) src(%arg8 : memref<128x64xf32, #tpu.memory_space<vmem>>) dst(%dma_wait3A_156 : memref<10240x64xf32, #tpu.memory_space<vmem_shared>>)
        tpu.yield
      }) : () -> ()
      %dma_start3A_54 = arith.constant 4 : i32
      %dma_start3A_55 = arith.constant 0 : i32
      %dma_start3A_56 = tpu.memref_slice %arg7[%dma_start3A_54, %dma_start3A_55] : memref<16x128xi32, #tpu.memory_space<vmem>> -> memref<1x128xi32, #tpu.memory_space<vmem>>
      %dma_start3A_57 = tpu.memref_squeeze %dma_start3A_56 : memref<1x128xi32, #tpu.memory_space<vmem>> -> memref<128xi32, #tpu.memory_space<vmem>>
      %dma_start3A_58 = arith.constant 0 : i32
      %dma_start3A_59 = arith.constant 0 : i32
      %dma_start3A_60 = tpu.memref_slice %arg5[%dma_start3A_58, %dma_start3A_59] : memref<10240x64xf32, #tpu.memory_space<vmem_shared>> -> memref<10240x64xf32, #tpu.memory_space<vmem_shared>>
      tpu.enqueue_indirect_dma source(%dma_start3A_60 : memref<10240x64xf32, #tpu.memory_space<vmem_shared>>) target(%arg8 : memref<128x64xf32, #tpu.memory_space<vmem>>) offsets(%dma_start3A_57 : memref<128xi32, #tpu.memory_space<vmem>>) semaphore(%arg9 : memref<!tpu.dma_semaphore, #tpu.memory_space<semaphore_mem>>)
      %dma_wait3A_61 = arith.constant 4 : i32
      %dma_wait3A_62 = arith.constant 0 : i32
      %dma_wait3A_63 = tpu.memref_slice %arg7[%dma_wait3A_61, %dma_wait3A_62] : memref<16x128xi32, #tpu.memory_space<vmem>> -> memref<1x128xi32, #tpu.memory_space<vmem>>
      %dma_wait3A_64 = tpu.memref_squeeze %dma_wait3A_63 : memref<1x128xi32, #tpu.memory_space<vmem>> -> memref<128xi32, #tpu.memory_space<vmem>>
      %dma_wait3A_65 = arith.constant 0 : i32
      %dma_wait3A_66 = arith.constant 0 : i32
      %dma_wait3A_67 = tpu.memref_slice %arg5[%dma_wait3A_65, %dma_wait3A_66] : memref<10240x64xf32, #tpu.memory_space<vmem_shared>> -> memref<10240x64xf32, #tpu.memory_space<vmem_shared>>
      tpu.wait_indirect_dma semaphore(%arg9 : memref<!tpu.dma_semaphore, #tpu.memory_space<semaphore_mem>>) src(%dma_wait3A_67 : memref<10240x64xf32, #tpu.memory_space<vmem_shared>>) dst(%arg8 : memref<128x64xf32, #tpu.memory_space<vmem>>)
      %run_scoped3A_68 = arith.constant 5 : i32
      "tpu.region"() ({
        %run_scoped3A_144 = tpu.sem_alloc : memref<!tpu.dma_semaphore, #tpu.memory_space<semaphore_mem>>
        %dma_start3A_145 = arith.constant 0 : i32
        %dma_start3A_146 = tpu.memref_slice %arg7[%run_scoped3A_68, %dma_start3A_145] : memref<16x128xi32, #tpu.memory_space<vmem>> -> memref<1x128xi32, #tpu.memory_space<vmem>>
        %dma_start3A_147 = tpu.memref_squeeze %dma_start3A_146 : memref<1x128xi32, #tpu.memory_space<vmem>> -> memref<128xi32, #tpu.memory_space<vmem>>
        %dma_start3A_148 = arith.constant 0 : i32
        %dma_start3A_149 = arith.constant 0 : i32
        %dma_start3A_150 = tpu.memref_slice %arg6[%dma_start3A_148, %dma_start3A_149] : memref<10240x64xf32, #tpu.memory_space<vmem_shared>> -> memref<10240x64xf32, #tpu.memory_space<vmem_shared>>
        tpu.enqueue_indirect_dma source(%arg8 : memref<128x64xf32, #tpu.memory_space<vmem>>) target(%dma_start3A_150 : memref<10240x64xf32, #tpu.memory_space<vmem_shared>>) offsets(%dma_start3A_147 : memref<128xi32, #tpu.memory_space<vmem>>) semaphore(%run_scoped3A_144 : memref<!tpu.dma_semaphore, #tpu.memory_space<semaphore_mem>>) {add = true}
        %dma_wait3A_151 = arith.constant 0 : i32
        %dma_wait3A_152 = tpu.memref_slice %arg7[%run_scoped3A_68, %dma_wait3A_151] : memref<16x128xi32, #tpu.memory_space<vmem>> -> memref<1x128xi32, #tpu.memory_space<vmem>>
        %dma_wait3A_153 = tpu.memref_squeeze %dma_wait3A_152 : memref<1x128xi32, #tpu.memory_space<vmem>> -> memref<128xi32, #tpu.memory_space<vmem>>
        %dma_wait3A_154 = arith.constant 0 : i32
        %dma_wait3A_155 = arith.constant 0 : i32
        %dma_wait3A_156 = tpu.memref_slice %arg6[%dma_wait3A_154, %dma_wait3A_155] : memref<10240x64xf32, #tpu.memory_space<vmem_shared>> -> memref<10240x64xf32, #tpu.memory_space<vmem_shared>>
        tpu.wait_indirect_dma semaphore(%run_scoped3A_144 : memref<!tpu.dma_semaphore, #tpu.memory_space<semaphore_mem>>) src(%arg8 : memref<128x64xf32, #tpu.memory_space<vmem>>) dst(%dma_wait3A_156 : memref<10240x64xf32, #tpu.memory_space<vmem_shared>>)
        tpu.yield
      }) : () -> ()
      %dma_start3A_69 = arith.constant 6 : i32
      %dma_start3A_70 = arith.constant 0 : i32
      %dma_start3A_71 = tpu.memref_slice %arg7[%dma_start3A_69, %dma_start3A_70] : memref<16x128xi32, #tpu.memory_space<vmem>> -> memref<1x128xi32, #tpu.memory_space<vmem>>
      %dma_start3A_72 = tpu.memref_squeeze %dma_start3A_71 : memref<1x128xi32, #tpu.memory_space<vmem>> -> memref<128xi32, #tpu.memory_space<vmem>>
      %dma_start3A_73 = arith.constant 0 : i32
      %dma_start3A_74 = arith.constant 0 : i32
      %dma_start3A_75 = tpu.memref_slice %arg5[%dma_start3A_73, %dma_start3A_74] : memref<10240x64xf32, #tpu.memory_space<vmem_shared>> -> memref<10240x64xf32, #tpu.memory_space<vmem_shared>>
      tpu.enqueue_indirect_dma source(%dma_start3A_75 : memref<10240x64xf32, #tpu.memory_space<vmem_shared>>) target(%arg8 : memref<128x64xf32, #tpu.memory_space<vmem>>) offsets(%dma_start3A_72 : memref<128xi32, #tpu.memory_space<vmem>>) semaphore(%arg9 : memref<!tpu.dma_semaphore, #tpu.memory_space<semaphore_mem>>)
      %dma_wait3A_76 = arith.constant 6 : i32
      %dma_wait3A_77 = arith.constant 0 : i32
      %dma_wait3A_78 = tpu.memref_slice %arg7[%dma_wait3A_76, %dma_wait3A_77] : memref<16x128xi32, #tpu.memory_space<vmem>> -> memref<1x128xi32, #tpu.memory_space<vmem>>
      %dma_wait3A_79 = tpu.memref_squeeze %dma_wait3A_78 : memref<1x128xi32, #tpu.memory_space<vmem>> -> memref<128xi32, #tpu.memory_space<vmem>>
      %dma_wait3A_80 = arith.constant 0 : i32
      %dma_wait3A_81 = arith.constant 0 : i32
      %dma_wait3A_82 = tpu.memref_slice %arg5[%dma_wait3A_80, %dma_wait3A_81] : memref<10240x64xf32, #tpu.memory_space<vmem_shared>> -> memref<10240x64xf32, #tpu.memory_space<vmem_shared>>
      tpu.wait_indirect_dma semaphore(%arg9 : memref<!tpu.dma_semaphore, #tpu.memory_space<semaphore_mem>>) src(%dma_wait3A_82 : memref<10240x64xf32, #tpu.memory_space<vmem_shared>>) dst(%arg8 : memref<128x64xf32, #tpu.memory_space<vmem>>)
      %run_scoped3A_83 = arith.constant 7 : i32
      "tpu.region"() ({
        %run_scoped3A_144 = tpu.sem_alloc : memref<!tpu.dma_semaphore, #tpu.memory_space<semaphore_mem>>
        %dma_start3A_145 = arith.constant 0 : i32
        %dma_start3A_146 = tpu.memref_slice %arg7[%run_scoped3A_83, %dma_start3A_145] : memref<16x128xi32, #tpu.memory_space<vmem>> -> memref<1x128xi32, #tpu.memory_space<vmem>>
        %dma_start3A_147 = tpu.memref_squeeze %dma_start3A_146 : memref<1x128xi32, #tpu.memory_space<vmem>> -> memref<128xi32, #tpu.memory_space<vmem>>
        %dma_start3A_148 = arith.constant 0 : i32
        %dma_start3A_149 = arith.constant 0 : i32
        %dma_start3A_150 = tpu.memref_slice %arg6[%dma_start3A_148, %dma_start3A_149] : memref<10240x64xf32, #tpu.memory_space<vmem_shared>> -> memref<10240x64xf32, #tpu.memory_space<vmem_shared>>
        tpu.enqueue_indirect_dma source(%arg8 : memref<128x64xf32, #tpu.memory_space<vmem>>) target(%dma_start3A_150 : memref<10240x64xf32, #tpu.memory_space<vmem_shared>>) offsets(%dma_start3A_147 : memref<128xi32, #tpu.memory_space<vmem>>) semaphore(%run_scoped3A_144 : memref<!tpu.dma_semaphore, #tpu.memory_space<semaphore_mem>>) {add = true}
        %dma_wait3A_151 = arith.constant 0 : i32
        %dma_wait3A_152 = tpu.memref_slice %arg7[%run_scoped3A_83, %dma_wait3A_151] : memref<16x128xi32, #tpu.memory_space<vmem>> -> memref<1x128xi32, #tpu.memory_space<vmem>>
        %dma_wait3A_153 = tpu.memref_squeeze %dma_wait3A_152 : memref<1x128xi32, #tpu.memory_space<vmem>> -> memref<128xi32, #tpu.memory_space<vmem>>
        %dma_wait3A_154 = arith.constant 0 : i32
        %dma_wait3A_155 = arith.constant 0 : i32
        %dma_wait3A_156 = tpu.memref_slice %arg6[%dma_wait3A_154, %dma_wait3A_155] : memref<10240x64xf32, #tpu.memory_space<vmem_shared>> -> memref<10240x64xf32, #tpu.memory_space<vmem_shared>>
        tpu.wait_indirect_dma semaphore(%run_scoped3A_144 : memref<!tpu.dma_semaphore, #tpu.memory_space<semaphore_mem>>) src(%arg8 : memref<128x64xf32, #tpu.memory_space<vmem>>) dst(%dma_wait3A_156 : memref<10240x64xf32, #tpu.memory_space<vmem_shared>>)
        tpu.yield
      }) : () -> ()
      %dma_start3A_84 = arith.constant 8 : i32
      %dma_start3A_85 = arith.constant 0 : i32
      %dma_start3A_86 = tpu.memref_slice %arg7[%dma_start3A_84, %dma_start3A_85] : memref<16x128xi32, #tpu.memory_space<vmem>> -> memref<1x128xi32, #tpu.memory_space<vmem>>
      %dma_start3A_87 = tpu.memref_squeeze %dma_start3A_86 : memref<1x128xi32, #tpu.memory_space<vmem>> -> memref<128xi32, #tpu.memory_space<vmem>>
      %dma_start3A_88 = arith.constant 0 : i32
      %dma_start3A_89 = arith.constant 0 : i32
      %dma_start3A_90 = tpu.memref_slice %arg5[%dma_start3A_88, %dma_start3A_89] : memref<10240x64xf32, #tpu.memory_space<vmem_shared>> -> memref<10240x64xf32, #tpu.memory_space<vmem_shared>>
      tpu.enqueue_indirect_dma source(%dma_start3A_90 : memref<10240x64xf32, #tpu.memory_space<vmem_shared>>) target(%arg8 : memref<128x64xf32, #tpu.memory_space<vmem>>) offsets(%dma_start3A_87 : memref<128xi32, #tpu.memory_space<vmem>>) semaphore(%arg9 : memref<!tpu.dma_semaphore, #tpu.memory_space<semaphore_mem>>)
      %dma_wait3A_91 = arith.constant 8 : i32
      %dma_wait3A_92 = arith.constant 0 : i32
      %dma_wait3A_93 = tpu.memref_slice %arg7[%dma_wait3A_91, %dma_wait3A_92] : memref<16x128xi32, #tpu.memory_space<vmem>> -> memref<1x128xi32, #tpu.memory_space<vmem>>
      %dma_wait3A_94 = tpu.memref_squeeze %dma_wait3A_93 : memref<1x128xi32, #tpu.memory_space<vmem>> -> memref<128xi32, #tpu.memory_space<vmem>>
      %dma_wait3A_95 = arith.constant 0 : i32
      %dma_wait3A_96 = arith.constant 0 : i32
      %dma_wait3A_97 = tpu.memref_slice %arg5[%dma_wait3A_95, %dma_wait3A_96] : memref<10240x64xf32, #tpu.memory_space<vmem_shared>> -> memref<10240x64xf32, #tpu.memory_space<vmem_shared>>
      tpu.wait_indirect_dma semaphore(%arg9 : memref<!tpu.dma_semaphore, #tpu.memory_space<semaphore_mem>>) src(%dma_wait3A_97 : memref<10240x64xf32, #tpu.memory_space<vmem_shared>>) dst(%arg8 : memref<128x64xf32, #tpu.memory_space<vmem>>)
      %run_scoped3A_98 = arith.constant 9 : i32
      "tpu.region"() ({
        %run_scoped3A_144 = tpu.sem_alloc : memref<!tpu.dma_semaphore, #tpu.memory_space<semaphore_mem>>
        %dma_start3A_145 = arith.constant 0 : i32
        %dma_start3A_146 = tpu.memref_slice %arg7[%run_scoped3A_98, %dma_start3A_145] : memref<16x128xi32, #tpu.memory_space<vmem>> -> memref<1x128xi32, #tpu.memory_space<vmem>>
        %dma_start3A_147 = tpu.memref_squeeze %dma_start3A_146 : memref<1x128xi32, #tpu.memory_space<vmem>> -> memref<128xi32, #tpu.memory_space<vmem>>
        %dma_start3A_148 = arith.constant 0 : i32
        %dma_start3A_149 = arith.constant 0 : i32
        %dma_start3A_150 = tpu.memref_slice %arg6[%dma_start3A_148, %dma_start3A_149] : memref<10240x64xf32, #tpu.memory_space<vmem_shared>> -> memref<10240x64xf32, #tpu.memory_space<vmem_shared>>
        tpu.enqueue_indirect_dma source(%arg8 : memref<128x64xf32, #tpu.memory_space<vmem>>) target(%dma_start3A_150 : memref<10240x64xf32, #tpu.memory_space<vmem_shared>>) offsets(%dma_start3A_147 : memref<128xi32, #tpu.memory_space<vmem>>) semaphore(%run_scoped3A_144 : memref<!tpu.dma_semaphore, #tpu.memory_space<semaphore_mem>>) {add = true}
        %dma_wait3A_151 = arith.constant 0 : i32
        %dma_wait3A_152 = tpu.memref_slice %arg7[%run_scoped3A_98, %dma_wait3A_151] : memref<16x128xi32, #tpu.memory_space<vmem>> -> memref<1x128xi32, #tpu.memory_space<vmem>>
        %dma_wait3A_153 = tpu.memref_squeeze %dma_wait3A_152 : memref<1x128xi32, #tpu.memory_space<vmem>> -> memref<128xi32, #tpu.memory_space<vmem>>
        %dma_wait3A_154 = arith.constant 0 : i32
        %dma_wait3A_155 = arith.constant 0 : i32
        %dma_wait3A_156 = tpu.memref_slice %arg6[%dma_wait3A_154, %dma_wait3A_155] : memref<10240x64xf32, #tpu.memory_space<vmem_shared>> -> memref<10240x64xf32, #tpu.memory_space<vmem_shared>>
        tpu.wait_indirect_dma semaphore(%run_scoped3A_144 : memref<!tpu.dma_semaphore, #tpu.memory_space<semaphore_mem>>) src(%arg8 : memref<128x64xf32, #tpu.memory_space<vmem>>) dst(%dma_wait3A_156 : memref<10240x64xf32, #tpu.memory_space<vmem_shared>>)
        tpu.yield
      }) : () -> ()
      %dma_start3A_99 = arith.constant 10 : i32
      %dma_start3A_100 = arith.constant 0 : i32
      %dma_start3A_101 = tpu.memref_slice %arg7[%dma_start3A_99, %dma_start3A_100] : memref<16x128xi32, #tpu.memory_space<vmem>> -> memref<1x128xi32, #tpu.memory_space<vmem>>
      %dma_start3A_102 = tpu.memref_squeeze %dma_start3A_101 : memref<1x128xi32, #tpu.memory_space<vmem>> -> memref<128xi32, #tpu.memory_space<vmem>>
      %dma_start3A_103 = arith.constant 0 : i32
      %dma_start3A_104 = arith.constant 0 : i32
      %dma_start3A_105 = tpu.memref_slice %arg5[%dma_start3A_103, %dma_start3A_104] : memref<10240x64xf32, #tpu.memory_space<vmem_shared>> -> memref<10240x64xf32, #tpu.memory_space<vmem_shared>>
      tpu.enqueue_indirect_dma source(%dma_start3A_105 : memref<10240x64xf32, #tpu.memory_space<vmem_shared>>) target(%arg8 : memref<128x64xf32, #tpu.memory_space<vmem>>) offsets(%dma_start3A_102 : memref<128xi32, #tpu.memory_space<vmem>>) semaphore(%arg9 : memref<!tpu.dma_semaphore, #tpu.memory_space<semaphore_mem>>)
      %dma_wait3A_106 = arith.constant 10 : i32
      %dma_wait3A_107 = arith.constant 0 : i32
      %dma_wait3A_108 = tpu.memref_slice %arg7[%dma_wait3A_106, %dma_wait3A_107] : memref<16x128xi32, #tpu.memory_space<vmem>> -> memref<1x128xi32, #tpu.memory_space<vmem>>
      %dma_wait3A_109 = tpu.memref_squeeze %dma_wait3A_108 : memref<1x128xi32, #tpu.memory_space<vmem>> -> memref<128xi32, #tpu.memory_space<vmem>>
      %dma_wait3A_110 = arith.constant 0 : i32
      %dma_wait3A_111 = arith.constant 0 : i32
      %dma_wait3A_112 = tpu.memref_slice %arg5[%dma_wait3A_110, %dma_wait3A_111] : memref<10240x64xf32, #tpu.memory_space<vmem_shared>> -> memref<10240x64xf32, #tpu.memory_space<vmem_shared>>
      tpu.wait_indirect_dma semaphore(%arg9 : memref<!tpu.dma_semaphore, #tpu.memory_space<semaphore_mem>>) src(%dma_wait3A_112 : memref<10240x64xf32, #tpu.memory_space<vmem_shared>>) dst(%arg8 : memref<128x64xf32, #tpu.memory_space<vmem>>)
      %run_scoped3A_113 = arith.constant 11 : i32
      "tpu.region"() ({
        %run_scoped3A_144 = tpu.sem_alloc : memref<!tpu.dma_semaphore, #tpu.memory_space<semaphore_mem>>
        %dma_start3A_145 = arith.constant 0 : i32
        %dma_start3A_146 = tpu.memref_slice %arg7[%run_scoped3A_113, %dma_start3A_145] : memref<16x128xi32, #tpu.memory_space<vmem>> -> memref<1x128xi32, #tpu.memory_space<vmem>>
        %dma_start3A_147 = tpu.memref_squeeze %dma_start3A_146 : memref<1x128xi32, #tpu.memory_space<vmem>> -> memref<128xi32, #tpu.memory_space<vmem>>
        %dma_start3A_148 = arith.constant 0 : i32
        %dma_start3A_149 = arith.constant 0 : i32
        %dma_start3A_150 = tpu.memref_slice %arg6[%dma_start3A_148, %dma_start3A_149] : memref<10240x64xf32, #tpu.memory_space<vmem_shared>> -> memref<10240x64xf32, #tpu.memory_space<vmem_shared>>
        tpu.enqueue_indirect_dma source(%arg8 : memref<128x64xf32, #tpu.memory_space<vmem>>) target(%dma_start3A_150 : memref<10240x64xf32, #tpu.memory_space<vmem_shared>>) offsets(%dma_start3A_147 : memref<128xi32, #tpu.memory_space<vmem>>) semaphore(%run_scoped3A_144 : memref<!tpu.dma_semaphore, #tpu.memory_space<semaphore_mem>>) {add = true}
        %dma_wait3A_151 = arith.constant 0 : i32
        %dma_wait3A_152 = tpu.memref_slice %arg7[%run_scoped3A_113, %dma_wait3A_151] : memref<16x128xi32, #tpu.memory_space<vmem>> -> memref<1x128xi32, #tpu.memory_space<vmem>>
        %dma_wait3A_153 = tpu.memref_squeeze %dma_wait3A_152 : memref<1x128xi32, #tpu.memory_space<vmem>> -> memref<128xi32, #tpu.memory_space<vmem>>
        %dma_wait3A_154 = arith.constant 0 : i32
        %dma_wait3A_155 = arith.constant 0 : i32
        %dma_wait3A_156 = tpu.memref_slice %arg6[%dma_wait3A_154, %dma_wait3A_155] : memref<10240x64xf32, #tpu.memory_space<vmem_shared>> -> memref<10240x64xf32, #tpu.memory_space<vmem_shared>>
        tpu.wait_indirect_dma semaphore(%run_scoped3A_144 : memref<!tpu.dma_semaphore, #tpu.memory_space<semaphore_mem>>) src(%arg8 : memref<128x64xf32, #tpu.memory_space<vmem>>) dst(%dma_wait3A_156 : memref<10240x64xf32, #tpu.memory_space<vmem_shared>>)
        tpu.yield
      }) : () -> ()
      %dma_start3A_114 = arith.constant 12 : i32
      %dma_start3A_115 = arith.constant 0 : i32
      %dma_start3A_116 = tpu.memref_slice %arg7[%dma_start3A_114, %dma_start3A_115] : memref<16x128xi32, #tpu.memory_space<vmem>> -> memref<1x128xi32, #tpu.memory_space<vmem>>
      %dma_start3A_117 = tpu.memref_squeeze %dma_start3A_116 : memref<1x128xi32, #tpu.memory_space<vmem>> -> memref<128xi32, #tpu.memory_space<vmem>>
      %dma_start3A_118 = arith.constant 0 : i32
      %dma_start3A_119 = arith.constant 0 : i32
      %dma_start3A_120 = tpu.memref_slice %arg5[%dma_start3A_118, %dma_start3A_119] : memref<10240x64xf32, #tpu.memory_space<vmem_shared>> -> memref<10240x64xf32, #tpu.memory_space<vmem_shared>>
      tpu.enqueue_indirect_dma source(%dma_start3A_120 : memref<10240x64xf32, #tpu.memory_space<vmem_shared>>) target(%arg8 : memref<128x64xf32, #tpu.memory_space<vmem>>) offsets(%dma_start3A_117 : memref<128xi32, #tpu.memory_space<vmem>>) semaphore(%arg9 : memref<!tpu.dma_semaphore, #tpu.memory_space<semaphore_mem>>)
      %dma_wait3A_121 = arith.constant 12 : i32
      %dma_wait3A_122 = arith.constant 0 : i32
      %dma_wait3A_123 = tpu.memref_slice %arg7[%dma_wait3A_121, %dma_wait3A_122] : memref<16x128xi32, #tpu.memory_space<vmem>> -> memref<1x128xi32, #tpu.memory_space<vmem>>
      %dma_wait3A_124 = tpu.memref_squeeze %dma_wait3A_123 : memref<1x128xi32, #tpu.memory_space<vmem>> -> memref<128xi32, #tpu.memory_space<vmem>>
      %dma_wait3A_125 = arith.constant 0 : i32
      %dma_wait3A_126 = arith.constant 0 : i32
      %dma_wait3A_127 = tpu.memref_slice %arg5[%dma_wait3A_125, %dma_wait3A_126] : memref<10240x64xf32, #tpu.memory_space<vmem_shared>> -> memref<10240x64xf32, #tpu.memory_space<vmem_shared>>
      tpu.wait_indirect_dma semaphore(%arg9 : memref<!tpu.dma_semaphore, #tpu.memory_space<semaphore_mem>>) src(%dma_wait3A_127 : memref<10240x64xf32, #tpu.memory_space<vmem_shared>>) dst(%arg8 : memref<128x64xf32, #tpu.memory_space<vmem>>)
      %run_scoped3A_128 = arith.constant 13 : i32
      "tpu.region"() ({
        %run_scoped3A_144 = tpu.sem_alloc : memref<!tpu.dma_semaphore, #tpu.memory_space<semaphore_mem>>
        %dma_start3A_145 = arith.constant 0 : i32
        %dma_start3A_146 = tpu.memref_slice %arg7[%run_scoped3A_128, %dma_start3A_145] : memref<16x128xi32, #tpu.memory_space<vmem>> -> memref<1x128xi32, #tpu.memory_space<vmem>>
        %dma_start3A_147 = tpu.memref_squeeze %dma_start3A_146 : memref<1x128xi32, #tpu.memory_space<vmem>> -> memref<128xi32, #tpu.memory_space<vmem>>
        %dma_start3A_148 = arith.constant 0 : i32
        %dma_start3A_149 = arith.constant 0 : i32
        %dma_start3A_150 = tpu.memref_slice %arg6[%dma_start3A_148, %dma_start3A_149] : memref<10240x64xf32, #tpu.memory_space<vmem_shared>> -> memref<10240x64xf32, #tpu.memory_space<vmem_shared>>
        tpu.enqueue_indirect_dma source(%arg8 : memref<128x64xf32, #tpu.memory_space<vmem>>) target(%dma_start3A_150 : memref<10240x64xf32, #tpu.memory_space<vmem_shared>>) offsets(%dma_start3A_147 : memref<128xi32, #tpu.memory_space<vmem>>) semaphore(%run_scoped3A_144 : memref<!tpu.dma_semaphore, #tpu.memory_space<semaphore_mem>>) {add = true}
        %dma_wait3A_151 = arith.constant 0 : i32
        %dma_wait3A_152 = tpu.memref_slice %arg7[%run_scoped3A_128, %dma_wait3A_151] : memref<16x128xi32, #tpu.memory_space<vmem>> -> memref<1x128xi32, #tpu.memory_space<vmem>>
        %dma_wait3A_153 = tpu.memref_squeeze %dma_wait3A_152 : memref<1x128xi32, #tpu.memory_space<vmem>> -> memref<128xi32, #tpu.memory_space<vmem>>
        %dma_wait3A_154 = arith.constant 0 : i32
        %dma_wait3A_155 = arith.constant 0 : i32
        %dma_wait3A_156 = tpu.memref_slice %arg6[%dma_wait3A_154, %dma_wait3A_155] : memref<10240x64xf32, #tpu.memory_space<vmem_shared>> -> memref<10240x64xf32, #tpu.memory_space<vmem_shared>>
        tpu.wait_indirect_dma semaphore(%run_scoped3A_144 : memref<!tpu.dma_semaphore, #tpu.memory_space<semaphore_mem>>) src(%arg8 : memref<128x64xf32, #tpu.memory_space<vmem>>) dst(%dma_wait3A_156 : memref<10240x64xf32, #tpu.memory_space<vmem_shared>>)
        tpu.yield
      }) : () -> ()
      %dma_start3A_129 = arith.constant 14 : i32
      %dma_start3A_130 = arith.constant 0 : i32
      %dma_start3A_131 = tpu.memref_slice %arg7[%dma_start3A_129, %dma_start3A_130] : memref<16x128xi32, #tpu.memory_space<vmem>> -> memref<1x128xi32, #tpu.memory_space<vmem>>
      %dma_start3A_132 = tpu.memref_squeeze %dma_start3A_131 : memref<1x128xi32, #tpu.memory_space<vmem>> -> memref<128xi32, #tpu.memory_space<vmem>>
      %dma_start3A_133 = arith.constant 0 : i32
      %dma_start3A_134 = arith.constant 0 : i32
      %dma_start3A_135 = tpu.memref_slice %arg5[%dma_start3A_133, %dma_start3A_134] : memref<10240x64xf32, #tpu.memory_space<vmem_shared>> -> memref<10240x64xf32, #tpu.memory_space<vmem_shared>>
      tpu.enqueue_indirect_dma source(%dma_start3A_135 : memref<10240x64xf32, #tpu.memory_space<vmem_shared>>) target(%arg8 : memref<128x64xf32, #tpu.memory_space<vmem>>) offsets(%dma_start3A_132 : memref<128xi32, #tpu.memory_space<vmem>>) semaphore(%arg9 : memref<!tpu.dma_semaphore, #tpu.memory_space<semaphore_mem>>)
      %dma_wait3A_136 = arith.constant 14 : i32
      %dma_wait3A_137 = arith.constant 0 : i32
      %dma_wait3A_138 = tpu.memref_slice %arg7[%dma_wait3A_136, %dma_wait3A_137] : memref<16x128xi32, #tpu.memory_space<vmem>> -> memref<1x128xi32, #tpu.memory_space<vmem>>
      %dma_wait3A_139 = tpu.memref_squeeze %dma_wait3A_138 : memref<1x128xi32, #tpu.memory_space<vmem>> -> memref<128xi32, #tpu.memory_space<vmem>>
      %dma_wait3A_140 = arith.constant 0 : i32
      %dma_wait3A_141 = arith.constant 0 : i32
      %dma_wait3A_142 = tpu.memref_slice %arg5[%dma_wait3A_140, %dma_wait3A_141] : memref<10240x64xf32, #tpu.memory_space<vmem_shared>> -> memref<10240x64xf32, #tpu.memory_space<vmem_shared>>
      tpu.wait_indirect_dma semaphore(%arg9 : memref<!tpu.dma_semaphore, #tpu.memory_space<semaphore_mem>>) src(%dma_wait3A_142 : memref<10240x64xf32, #tpu.memory_space<vmem_shared>>) dst(%arg8 : memref<128x64xf32, #tpu.memory_space<vmem>>)
      %run_scoped3A_143 = arith.constant 15 : i32
      "tpu.region"() ({
        %run_scoped3A_144 = tpu.sem_alloc : memref<!tpu.dma_semaphore, #tpu.memory_space<semaphore_mem>>
        %dma_start3A_145 = arith.constant 0 : i32
        %dma_start3A_146 = tpu.memref_slice %arg7[%run_scoped3A_143, %dma_start3A_145] : memref<16x128xi32, #tpu.memory_space<vmem>> -> memref<1x128xi32, #tpu.memory_space<vmem>>
        %dma_start3A_147 = tpu.memref_squeeze %dma_start3A_146 : memref<1x128xi32, #tpu.memory_space<vmem>> -> memref<128xi32, #tpu.memory_space<vmem>>
        %dma_start3A_148 = arith.constant 0 : i32
        %dma_start3A_149 = arith.constant 0 : i32
        %dma_start3A_150 = tpu.memref_slice %arg6[%dma_start3A_148, %dma_start3A_149] : memref<10240x64xf32, #tpu.memory_space<vmem_shared>> -> memref<10240x64xf32, #tpu.memory_space<vmem_shared>>
        tpu.enqueue_indirect_dma source(%arg8 : memref<128x64xf32, #tpu.memory_space<vmem>>) target(%dma_start3A_150 : memref<10240x64xf32, #tpu.memory_space<vmem_shared>>) offsets(%dma_start3A_147 : memref<128xi32, #tpu.memory_space<vmem>>) semaphore(%run_scoped3A_144 : memref<!tpu.dma_semaphore, #tpu.memory_space<semaphore_mem>>) {add = true}
        %dma_wait3A_151 = arith.constant 0 : i32
        %dma_wait3A_152 = tpu.memref_slice %arg7[%run_scoped3A_143, %dma_wait3A_151] : memref<16x128xi32, #tpu.memory_space<vmem>> -> memref<1x128xi32, #tpu.memory_space<vmem>>
        %dma_wait3A_153 = tpu.memref_squeeze %dma_wait3A_152 : memref<1x128xi32, #tpu.memory_space<vmem>> -> memref<128xi32, #tpu.memory_space<vmem>>
        %dma_wait3A_154 = arith.constant 0 : i32
        %dma_wait3A_155 = arith.constant 0 : i32
        %dma_wait3A_156 = tpu.memref_slice %arg6[%dma_wait3A_154, %dma_wait3A_155] : memref<10240x64xf32, #tpu.memory_space<vmem_shared>> -> memref<10240x64xf32, #tpu.memory_space<vmem_shared>>
        tpu.wait_indirect_dma semaphore(%run_scoped3A_144 : memref<!tpu.dma_semaphore, #tpu.memory_space<semaphore_mem>>) src(%arg8 : memref<128x64xf32, #tpu.memory_space<vmem>>) dst(%dma_wait3A_156 : memref<10240x64xf32, #tpu.memory_space<vmem_shared>>)
        tpu.yield
      }) : () -> ()
    }
    %scan3A_23 = arith.constant 20 : i32
    %barrier3A_24 = arith.constant 0 : index
    tpu.barrier barrier_id(%barrier3A_24)
    "tpu.region"() ({
      %run_scoped3A = tpu.sem_alloc : memref<!tpu.dma_semaphore, #tpu.memory_space<semaphore_mem>>
      %dma_start3A = arith.constant 0 : i32
      %dma_start3A_25 = arith.constant 0 : i32
      %dma_start3A_26 = tpu.memref_slice %arg4[%arg0, %dma_start3A, %dma_start3A_25] : memref<2x10240x64xf32, #tpu.memory_space<hbm>> -> memref<1x10240x64xf32, #tpu.memory_space<hbm>>
      %dma_start3A_27 = tpu.memref_squeeze %dma_start3A_26 : memref<1x10240x64xf32, #tpu.memory_space<hbm>> -> memref<10240x64xf32, #tpu.memory_space<hbm>>
      %dma_start3A_28 = arith.constant 0 : i32
      %dma_start3A_29 = tpu.memref_slice %dma_start3A_27[%mul3A_6, %dma_start3A_28] : memref<10240x64xf32, #tpu.memory_space<hbm>> -> memref<640x64xf32, #tpu.memory_space<hbm>>
      %dma_start3A_30 = arith.constant 0 : i32
      %dma_start3A_31 = tpu.memref_slice %arg6[%mul3A_6, %dma_start3A_30] : memref<10240x64xf32, #tpu.memory_space<vmem_shared>> -> memref<640x64xf32, #tpu.memory_space<vmem_shared>>
      tpu.enqueue_dma source(%dma_start3A_31 : memref<640x64xf32, #tpu.memory_space<vmem_shared>>) target(%dma_start3A_29 : memref<640x64xf32, #tpu.memory_space<hbm>>) target_semaphore(%run_scoped3A : memref<!tpu.dma_semaphore, #tpu.memory_space<semaphore_mem>>)
      %dma_wait3A = arith.constant 0 : i32
      %dma_wait3A_32 = arith.constant 0 : i32
      %dma_wait3A_33 = tpu.memref_slice %arg4[%arg0, %dma_wait3A, %dma_wait3A_32] : memref<2x10240x64xf32, #tpu.memory_space<hbm>> -> memref<1x10240x64xf32, #tpu.memory_space<hbm>>
      %dma_wait3A_34 = tpu.memref_squeeze %dma_wait3A_33 : memref<1x10240x64xf32, #tpu.memory_space<hbm>> -> memref<10240x64xf32, #tpu.memory_space<hbm>>
      %dma_wait3A_35 = arith.constant 0 : i32
      %dma_wait3A_36 = tpu.memref_slice %dma_wait3A_34[%mul3A_6, %dma_wait3A_35] : memref<10240x64xf32, #tpu.memory_space<hbm>> -> memref<640x64xf32, #tpu.memory_space<hbm>>
      %dma_wait3A_37 = arith.constant 0 : i32
      %dma_wait3A_38 = tpu.memref_slice %arg6[%mul3A_6, %dma_wait3A_37] : memref<10240x64xf32, #tpu.memory_space<vmem_shared>> -> memref<640x64xf32, #tpu.memory_space<vmem_shared>>
      tpu.wait_dma2 semaphore(%run_scoped3A : memref<!tpu.dma_semaphore, #tpu.memory_space<semaphore_mem>>) src(%dma_wait3A_38 : memref<640x64xf32, #tpu.memory_space<vmem_shared>>) dst(%dma_wait3A_36 : memref<640x64xf32, #tpu.memory_space<hbm>>)
      tpu.yield
    }) : () -> ()
    return
  }
}

module attributes {stable_mosaic.version = 14 : i64} {
  func.func @_tc_mm_body(%arg0: i32, %arg1: memref<2048x128xf32, #tpu.memory_space<vmem>>, %arg2: memref<128x128xf32, #tpu.memory_space<vmem>>, %arg3: memref<2x2048x64xf32, #tpu.memory_space<vmem>>) attributes {dimension_semantics = [#tpu.dimension_semantics<arbitrary>], iteration_bounds = array<i64: 5>, scalar_prefetch = 0 : i64, scratch_operands = 0 : i64, tpu.core_type = #tpu.core_type<tc>, window_params = [{transform_indices = @transform_0, window_bounds = array<i64: 2048, 128>}, {pipeline_mode = #tpu.pipeline_mode<synchronous>, transform_indices = @transform_1, window_bounds = array<i64: 128, 128>}, {transform_indices = @transform_2, window_bounds = array<i64: 2, 2048, 64>}]} {
    %get3A = arith.constant 0 : index
    %get3A_0 = arith.constant 0 : index
    %get3A_1 = vector.load %arg1[%get3A, %get3A_0] : memref<2048x128xf32, #tpu.memory_space<vmem>>, vector<2048x128xf32>
    %get3A_2 = arith.constant 0 : index
    %get3A_3 = arith.constant 0 : index
    %get3A_4 = vector.load %arg2[%get3A_2, %get3A_3] : memref<128x128xf32, #tpu.memory_space<vmem>>, vector<128x128xf32>
    %dot_general3A = arith.constant dense<0.000000e+00> : vector<2048x128xf32>
    %dot_general3A_5 = tpu.matmul %get3A_1, %get3A_4, %dot_general3A {dimension_numbers = #tpu.dot_dimension_numbers<[1], [0], [0], [1], [0, 0, 1, 1], [], []>, transpose_lhs_hint = false} : vector<2048x128xf32>, vector<128x128xf32>, vector<2048x128xf32> -> vector<2048x128xf32>
    %slice3A = vector.extract_strided_slice %dot_general3A_5 {offsets = [0, 0], sizes = [2048, 64], strides = [1, 1]} : vector<2048x128xf32> to vector<2048x64xf32>
    %swap3A = arith.constant 0 : index
    %swap3A_6 = arith.constant 0 : index
    %swap3A_7 = arith.constant 0 : index
    %swap3A_8 = vector.load %arg3[%swap3A, %swap3A_6, %swap3A_7] : memref<2x2048x64xf32, #tpu.memory_space<vmem>>, vector<1x2048x64xf32>
    %swap3A_9 = vector.shape_cast %swap3A_8 : vector<1x2048x64xf32> to vector<2048x64xf32>
    %swap3A_10 = vector.shape_cast %slice3A : vector<2048x64xf32> to vector<1x2048x64xf32>
    tpu.vector_store %arg3[%swap3A, %swap3A_6, %swap3A_7], %swap3A_10 {strides = array<i32>} : memref<2x2048x64xf32, #tpu.memory_space<vmem>>, vector<1x2048x64xf32>,
    %slice3A_11 = vector.extract_strided_slice %dot_general3A_5 {offsets = [0, 64], sizes = [2048, 64], strides = [1, 1]} : vector<2048x128xf32> to vector<2048x64xf32>
    %swap3A_12 = arith.constant 1 : index
    %swap3A_13 = arith.constant 0 : index
    %swap3A_14 = arith.constant 0 : index
    %swap3A_15 = vector.load %arg3[%swap3A_12, %swap3A_13, %swap3A_14] : memref<2x2048x64xf32, #tpu.memory_space<vmem>>, vector<1x2048x64xf32>
    %swap3A_16 = vector.shape_cast %swap3A_15 : vector<1x2048x64xf32> to vector<2048x64xf32>
    %swap3A_17 = vector.shape_cast %slice3A_11 : vector<2048x64xf32> to vector<1x2048x64xf32>
    tpu.vector_store %arg3[%swap3A_12, %swap3A_13, %swap3A_14], %swap3A_17 {strides = array<i32>} : memref<2x2048x64xf32, #tpu.memory_space<vmem>>, vector<1x2048x64xf32>,
    return
  }
  func.func @transform_0(%arg0: i32) -> (i32, i32) {
    %c0_i32 = arith.constant 0 : i32
    %c0_i32_0 = arith.constant 0 : i32
    return %arg0, %c0_i32 : i32, i32
  }
  func.func @transform_1(%arg0: i32) -> (i32, i32) {
    %c0_i32 = arith.constant 0 : i32
    %c0_i32_0 = arith.constant 0 : i32
    %c0_i32_1 = arith.constant 0 : i32
    return %c0_i32, %c0_i32_0 : i32, i32
  }
  func.func @transform_2(%arg0: i32) -> (i32, i32, i32) {
    %c0_i32 = arith.constant 0 : i32
    %c0_i32_0 = arith.constant 0 : i32
    %c0_i32_1 = arith.constant 0 : i32
    return %c0_i32, %arg0, %c0_i32_0 : i32, i32, i32
  }
}

module attributes {stable_mosaic.version = 14 : i64} {
  func.func @_tc_cat_body(%arg0: i32, %arg1: memref<2x2000x64xf32, #tpu.memory_space<vmem>>, %arg2: memref<2000x128xf32, #tpu.memory_space<vmem>>) attributes {dimension_semantics = [#tpu.dimension_semantics<arbitrary>], iteration_bounds = array<i64: 5>, scalar_prefetch = 0 : i64, scratch_operands = 0 : i64, tpu.core_type = #tpu.core_type<tc>, window_params = [{transform_indices = @transform_0, window_bounds = array<i64: 2, 2000, 64>}, {transform_indices = @transform_1, window_bounds = array<i64: 2000, 128>}]} {
    %get3A = arith.constant 0 : index
    %get3A_0 = arith.constant 0 : index
    %get3A_1 = arith.constant 0 : index
    %get3A_2 = vector.load %arg1[%get3A, %get3A_0, %get3A_1] : memref<2x2000x64xf32, #tpu.memory_space<vmem>>, vector<1x2000x64xf32>
    %get3A_3 = vector.shape_cast %get3A_2 : vector<1x2000x64xf32> to vector<2000x64xf32>
    %swap3A = arith.constant 0 : index
    %swap3A_4 = arith.constant 0 : index
    %swap3A_5 = vector.load %arg2[%swap3A, %swap3A_4] : memref<2000x128xf32, #tpu.memory_space<vmem>>, vector<2000x64xf32>
    tpu.vector_store %arg2[%swap3A, %swap3A_4], %get3A_3 {strides = array<i32>} : memref<2000x128xf32, #tpu.memory_space<vmem>>, vector<2000x64xf32>,
    %get3A_6 = arith.constant 1 : index
    %get3A_7 = arith.constant 0 : index
    %get3A_8 = arith.constant 0 : index
    %get3A_9 = vector.load %arg1[%get3A_6, %get3A_7, %get3A_8] : memref<2x2000x64xf32, #tpu.memory_space<vmem>>, vector<1x2000x64xf32>
    %get3A_10 = vector.shape_cast %get3A_9 : vector<1x2000x64xf32> to vector<2000x64xf32>
    %swap3A_11 = arith.constant 0 : index
    %swap3A_12 = arith.constant 64 : index
    %swap3A_13 = vector.load %arg2[%swap3A_11, %swap3A_12] : memref<2000x128xf32, #tpu.memory_space<vmem>>, vector<2000x64xf32>
    tpu.vector_store %arg2[%swap3A_11, %swap3A_12], %get3A_10 {strides = array<i32>} : memref<2000x128xf32, #tpu.memory_space<vmem>>, vector<2000x64xf32>,
    return
  }
  func.func @transform_0(%arg0: i32) -> (i32, i32, i32) {
    %c0_i32 = arith.constant 0 : i32
    %c0_i32_0 = arith.constant 0 : i32
    %c0_i32_1 = arith.constant 0 : i32
    return %c0_i32, %arg0, %c0_i32_0 : i32, i32, i32
  }
  func.func @transform_1(%arg0: i32) -> (i32, i32) {
    %c0_i32 = arith.constant 0 : i32
    %c0_i32_0 = arith.constant 0 : i32
    return %arg0, %c0_i32 : i32, i32
  }
}

</mosaic_0001>

<sc_bundles>
// kernel: kernel.5.cloned.1.call-start
scs
__scs_entry_jumppad:
0x0: {  	(pc) =	sbr.rel $0x88, $3  }
0x1: {  	(tag) =	ssettag $0x0;
	lr =	simm.s32 $0x1  }
0x2: {  	[smem:$0x3F9E] =	sst lr;
	_ =	strace $0xD0000000  }
0x3: {  	_ = 	snop  }
0x4: {  	_ = 	snop  }
0x5: {  	_ = 	snop  }
0x6: {  	_ = 	snop  }
0x7: {  	_ = 	snop  }
__scs_overlays_trampoline_lowered:
0x8: {  	[smem:$0x3FAD] =	sst s0  }
0x9: {  	[smem:$0x3FAE] =	sst s1  }
0xa: {  	[smem:$0x3FAF] =	sst s2  }
0xb: {  	[smem:$0x3FB0] =	sst s3  }
0xc: {  	[smem:$0x3FB1] =	sst s4  }
0xd: {  	[smem:$0x3FB2] =	sst s5  }
0xe: {  	[smem:$0x3FB3] =	sst s6  }
0xf: {  	[smem:$0x3FB4] =	sst s7  }
0x10: {  	[smem:$0x3FB5] =	sst s8  }
0x11: {  	[smem:$0x3FB6] =	sst s9;
	s0 =	simm.s32 @!p0 $0x0  }
0x12: {  	s1 =	sld [smem:$0x3F9C];
	s0 =	simm.s32 @p0 $0x1  }
0x13: {  	[smem:$0x3FB7] =	sst s0;
	s0 =	simm.s32 @!p1 $0x0  }
0x14: {  	s2 =	sld [smem:$0x3F9B];
	s0 =	simm.s32 @p1 $0x1  }
0x15: {  	[smem:$0x3FB8] =	sst s0;
	s0 =	simm.s32 @!p2 $0x0  }
0x16: {  	s3 =	sld [smem:$0x3FDB];
	s0 =	simm.s32 @p2 $0x1  }
0x17: {  	s4 =	simm.s32 $0x1BF5;
	[smem:$0x3FBA] =	sst s0  }
0x18: {  	s0 =	sld [smem:$0x3F9D];
	_ =	swait.ge [sflag:s4], $0x0  }
0x19: {  	s7 =	sld [smem:$0x3F9E]  }
0x1a: {  	s8 =	sadd.s32 $0xFFFFE003, lr  }
0x1b: {  	s9 =	sadd.s32 $0xFFFFFEF7, lr;
	s5 =	simm.s32 $0xFFFFFFFF;
	p2 =	slt.u32 s8, $0xFFFFF086  }
0x1c: {  	p1 =	slt.u32 s9, $0xF7A;
	s5 =	simm.s32 @!p2 $0x0  }
0x1d: {  	s5 =	simm.s32 @p1 $0x1;
	p0 =	seq.s32 s7, s2  }
0x1e: {  	s7 =	smul.u32 @!p0 $0xF7A, s2;
	p2 =	seq.s32 @!p0 s5, $0x0  }
0x1f: {  	s9 =	smul.u32 $0xF7A, s1;
	s8 =	simm.s32 @!p0 $0x1BF5;
	p2 =	por !p2, p0  }
0x20: {  	[sflag:s8] =	ssyncset.s32 @!p0 $0xFFFFF086;
	s6 =	sadd.s32 @!p0 s3, s7;
	s7 =	simm.s32 @!p0 $0x108  }
0x21: {  	s3 =	sadd.s32 s3, s9;
	s6 =	sadd.s32 @!p0 $0x88, s6;
	s7 =	simm.s32 @p2 $0x1082  }
0x22: {  	[simem:s7], [sflag:s8] =	dma.local @!p0 [hbm:s6], $0xF7A  }
0x23: {  	s9 =	sor.u32 $0xD0000000, s2;
	s6 =	simm.s32 $0x108;
	_ =	swait.ge @!p0 [sflag:s8], $0x0  }
0x24: {  	s3 =	sadd.s32 $0x88, s3;
	s6 =	simm.s32 @!p1 $0x1082;
	[sflag:s4] =	ssyncset.s32 $0xFFFFF086  }
0x25: {  	[simem:s6], [sflag:s4] =	dma.local [hbm:s3], $0xF7A  }
0x26: {  	[smem:$0x3F9E] =	sst s1;
	(tag) =	ssettag s2;
	_ =	strace s9  }
0x27: {  	s1 =	sld [smem:$0x3FAE]  }
0x28: {  	s2 =	sld [smem:$0x3FAF]  }
0x29: {  	s4 =	sld [smem:$0x3FB1]  }
0x2a: {  	p0 =	seq.s32 s5, $0x0;
	s5 =	sld [smem:$0x3FB2]  }
0x2b: {  	s6 =	sld [smem:$0x3FB3]  }
0x2c: {  	s7 =	sld [smem:$0x3FB4]  }
0x2d: {  	s3 =	simm.s32 $0x108;
	s8 =	sld [smem:$0x3FB5]  }
0x2e: {  	s3 =	simm.s32 @!p0 $0x1082;
	s9 =	sld [smem:$0x3FB6]  }
0x2f: {  	lr =	sadd.s32 s0, s3;
	s0 =	sld [smem:$0x3FAD]  }
0x30: {  	s3 =	sld [smem:$0x3FB0]  }
0x31: {  	[smem:$0x3FB9] =	sst s10  }
0x32: {  	s10 =	sld [smem:$0x3FB7];
	_ =	sdelay $0x3  }
0x33: {  	p0 =	seq.s32 s10, $0x1;
	s10 =	sld [smem:$0x3FB9];
	_ =	sdelay $0x3  }
0x34: {  	[smem:$0x3FB9] =	sst s10  }
0x35: {  	s10 =	sld [smem:$0x3FB8];
	_ =	sdelay $0x3  }
0x36: {  	p1 =	seq.s32 s10, $0x1;
	s10 =	sld [smem:$0x3FB9];
	_ =	sdelay $0x3  }
0x37: {  	[smem:$0x3FB9] =	sst s10  }
0x38: {  	s10 =	sld [smem:$0x3FBA]  }
0x39: {  	_ = 	snop;
	(pc) =	sbr.ind lr, $3  }
0x3a: {  	_ = 	snop  }
0x3b: {  	_ = 	snop  }
0x3c: {  	p2 =	seq.s32 s10, $0x1;
	s10 =	sld [smem:$0x3FB9]  }
0x3d: {  	_ =	shalt  }
0x3e: {  	_ =	shalt  }
0x3f: {  	_ =	shalt  }
0x40: {  	_ =	shalt  }
0x41: {  	_ =	shalt  }
0x42: {  	_ =	shalt  }
0x43: {  	_ =	shalt  }
0x44: {  	_ =	shalt  }
0x45: {  	_ =	shalt  }
0x46: {  	_ =	shalt  }
0x47: {  	_ =	shalt  }
0x48: {  	_ =	shalt  }
0x49: {  	_ =	shalt  }
0x4a: {  	_ =	shalt  }
0x4b: {  	_ =	shalt  }
0x4c: {  	_ =	shalt  }
0x4d: {  	_ =	shalt  }
0x4e: {  	_ =	shalt  }
0x4f: {  	_ =	shalt  }
0x50: {  	_ =	shalt  }
0x51: {  	_ =	shalt  }
0x52: {  	_ =	shalt  }
0x53: {  	_ =	shalt  }
0x54: {  	_ =	shalt  }
0x55: {  	_ =	shalt  }
0x56: {  	_ =	shalt  }
0x57: {  	_ =	shalt  }
0x58: {  	_ =	shalt  }
0x59: {  	_ =	shalt  }
0x5a: {  	_ =	shalt  }
0x5b: {  	_ =	shalt  }
0x5c: {  	_ =	shalt  }
0x5d: {  	_ =	shalt  }
0x5e: {  	_ =	shalt  }
0x5f: {  	_ =	shalt  }
0x60: {  	_ =	shalt  }
0x61: {  	_ =	shalt  }
0x62: {  	_ =	shalt  }
0x63: {  	_ =	shalt  }
0x64: {  	_ =	shalt  }
0x65: {  	_ =	shalt  }
0x66: {  	_ =	shalt  }
0x67: {  	_ =	shalt  }
0x68: {  	_ =	shalt  }
0x69: {  	_ =	shalt  }
0x6a: {  	_ =	shalt  }
0x6b: {  	_ =	shalt  }
0x6c: {  	_ =	shalt  }
0x6d: {  	_ =	shalt  }
0x6e: {  	_ =	shalt  }
0x6f: {  	_ =	shalt  }
0x70: {  	_ =	shalt  }
0x71: {  	_ =	shalt  }
0x72: {  	_ =	shalt  }
0x73: {  	_ =	shalt  }
0x74: {  	_ =	shalt  }
0x75: {  	_ =	shalt  }
0x76: {  	_ =	shalt  }
0x77: {  	_ =	shalt  }
0x78: {  	_ =	shalt  }
0x79: {  	_ =	shalt  }
0x7a: {  	_ =	shalt  }
0x7b: {  	_ =	shalt  }
0x7c: {  	_ =	shalt  }
0x7d: {  	_ =	shalt  }
0x7e: {  	_ =	shalt  }
0x7f: {  	_ =	shalt  }
0x80: {  	_ =	shalt  }
0x81: {  	_ =	shalt  }
0x82: {  	_ =	shalt  }
0x83: {  	_ =	shalt  }
0x84: {  	_ =	shalt  }
0x85: {  	_ =	shalt  }
0x86: {  	_ =	shalt  }
0x87: {  	_ =	shalt  }
.Lfunc_end0:
.L_simem_size_0:
called_computation_lowered:
.L_overlay_start_0:
0x88: {  	s2 =	sld [smem:$0x3FD9]  }
0x89: {  	s3 =	sld [smem:$0x3FFE];
	_ =	sdelay $0x1  }
0x8a: {  	s1 =	srdreg.scid  }
0x8b: {  	s0 =	sand.u32 $0x1, s1  }
0x8c: {  	s17 =	sshll.u32 s0, $0xA;
	s2 =	sadd.s32 s3, s2  }
0x8d: {  	s2 =	sadd.s32 s2, s17  }
0x8e: {  	[smem:$0x3FC5] =	sst s2  }
0x8f: {  	_ = 	snop  }
0x90: {  	s2 =	sld [smem:$0x3FD0];
	(tm) =	ssettm $0x1  }
0x91: {  	s18 =	sld [smem:$0x3FFB];
	_ =	sdelay $0x3  }
0x92: {  	_ =	strace s18  }
0x93: {  	s3 =	sld [smem:$0x3FFC];
	_ =	sdelay $0x3  }
0x94: {  	_ =	strace s3  }
0x95: {  	s3 =	sld [smem:$0x3FFD];
	_ =	sdelay $0x3  }
0x96: {  	_ =	strace s3  }
0x97: {  	_ =	strace $0x8FFFFFFF  }
0x98: {  	s19 =	sld [smem:$0x3FDB];
	_ =	sdelay $0x1  }
0x99: {  	s4 =	simm.s32 $_scs_section_size  }
0x9a: {  	s5 =	simm.s32 $_size__tile_overlayer_lowered;
	s6 =	simm.s32 $_tile_overlayer_lowered  }
0x9b: {  	s22 =	simm.s32 $0x1BFF;
	s21 =	sshll.u32 s6, $0x1;
	s3 =	sadd.s32 s4, s19  }
0x9c: {  	s7 =	simm.s32 $0x0;
	s20 =	sshll.u32 s5, $0x1;
	s5 =	sadd.s32 s21, s3  }
0x9d: {  	[timem:s7], [sflag:s22] =	dma.local [hbm:s5], s20  }
0x9e: {  	_ =	swait.ge [sflag:s22], s20  }
0x9f: {  	s4 =	ssub.s32 $0x0, s20;
	[sflag:s22] =	ssyncset.done $0x0  }
0xa0: {  	[sflag:s22] =	ssyncadd.s32 s4;
	_ =	sdelay $0x1  }
0xa1: {  	s23 =	simm.s32 $0x1B8B  }
0xa2: {  	_ =	swait.ge [sflag:s23], $0x1  }
0xa3: {  	[sflag:s23] =	ssyncset.done $0x0  }
0xa4: {  	s25 =	simm.s32 $0x1B8E;
	s24 =	sld [smem:$0x3FFE];
	[sflag:s23] =	ssyncadd.s32 $0xFFFFFFFF  }
0xa5: {  	s26 =	simm.s32 $execute0_lowered;
	[smem:$0x3FD2] =	sst s25  }
0xa6: {  	s5 =	sshll.u32 s26, $0x1;
	_ =	strace $0x80000046;
	[dreg:$0x1] =	wrdreg $0xFFFFFFFF  }
0xa7: {  	s28 =	simm.s32 $_size_execute0_lowered;
	s3 =	sadd.s32 s3, s5;
	[dreg:$0x0] =	wrdreg $0x0  }
0xa8: {  	s5 =	sshll.u32 s28, $0x1;
	[dreg:$0x2] =	wrdreg s3  }
0xa9: {  	[dreg:$0x3] =	wrdreg s5  }
0xaa: {  	[dreg:$0x4] =	wrdreg $0xC0  }
0xab: {  	_ =	task [dreg:s7], $0x5FFFF  }
0xac: {  	[dreg:$0x1] =	wrdreg $0xFFFFFFFF  }
0xad: {  	[dreg:$0x0] =	wrdreg $0x60  }
0xae: {  	[dreg:$0x2] =	wrdreg s24  }
0xaf: {  	[dreg:$0x3] =	wrdreg s2  }
0xb0: {  	[dreg:$0x4] =	wrdreg $0x0  }
0xb1: {  	[dreg:$0x5] =	wrdreg $0xA0000  }
0xb2: {  	[dreg:$0x6] =	wrdreg $0x9  }
0xb3: {  	_ =	task.clear_ibuf [dreg:s7], $0x7FFFF;
	_ =	strace $0x90000046  }
0xb4: {  	s29 =	simm.s32 $0x9;
	_ =	strace $0x80000048  }
0xb5: {  	_ =	swait.ge [sflag:s29], $0x1  }
0xb6: {  	[sflag:s29] =	ssyncadd.s32 $0xFFFFFFFF  }
0xb7: {  	_ =	strace $0x90000048  }
0xb8: {  	_ =	sfence  }
0xb9: {  	s30 =	sld [smem:$0x0];
	_ =	sdelay $0x2  }
0xba: {  	s31 =	sshll.u32 s1, $0xD;
	s1 =	sshrl.u32 s1, $0x2  }
0xbb: {  	s3 =	sand.u32 $0x4000, s31;
	s1 =	sadd.s32 s1, s30  }
0xbc: {  	s0 =	sor.u32 s3, s0;
	s1 =	sshll.u32 s1, $0x11  }
0xbd: {  	s0 =	sor.u32 s1, s0  }
0xbe: {  	s0 =	sadd.s32 $0x8F2B, s0  }
0xbf: {  	[sflag:s0] =	ssyncadd.remote.s32 $0x1  }
0xc0: {  	_ =	sfence.sel $0xFFFF  }
0xc1: {  	[dreg:$0x0] =	wrdreg $0xFFFFFFFF;
	(pc) =	sbr.abs _section_cstart, $3  }
0xc2: {  	[dreg:$0x1] =	wrdreg $0xFFFFFFFF  }
0xc3: {  	_ =	task.clear_ibuf [dreg:s7], $0x2FFFF;
	_ =	strace $0x9FFFFFFF  }
0xc4: {  	(tm) =	ssettm $0x7FFFFFFF  }
0xc5: {  	_ =	shalt  }
tec
execute0_lowered:
.L_overlay_start_1:
0x0: {  	(tag) =	ssettag $0x1  }
0x1: {  	s0 =	rddreg [dreg:$0x0]  }
0x2: {  	s2 =	rddreg [dreg:$0x1]  }
0x3: {  	s1 =	rddreg [dreg:$0x2]  }
0x4: {  	s4 =	srdreg.scid;
	s3 =	rddreg [dreg:$0x3]  }
0x5: {  	s11 =	stileid.u32;
	s15 =	simm.s32 $0x2;
	s16 =	simm.s32 $0x14800  }
0x6: {  	s17 =	simm.s32 $0x14000;
	s18 =	simm.s32 $0x80;
	s19 =	simm.s32 $0x1  }
0x7: {  	s20 =	simm.s32 $0x14080;
	s21 =	simm.s32 $0x14100;
	s28 =	simm.s32 $0x14380  }
0x8: {  	s29 =	simm.s32 $0x14400;
	s30 =	simm.s32 $0x14480;
	s7 =	smul.u32 $0x14000, s11  }
0x9: {  	s31 =	simm.s32 $0x14500;
	s5 =	sand.u32 $0x1, s4;
	s8 =	smul.u32 $0x2800, s11  }
0xa: {  	s4 =	simm.s32 $0x0;
	s10 =	smul.u32 $0x50000, s11;
	s23 =	sshll.u32 s11, $0x6  }
0xb: {  	s6 =	smul.u32 $0x28000, s5;
	s5 =	ssub.s32 $0x2, s5;
	[smem:$0x7FF] =	sst s4  }
0xc: {  	s11 =	smul.u32 $0x1400, s11;
	s9 =	sshrl.u32 s5, $0x1;
	_ =	strace $0x80000047  }
0xd: {  	s22 =	sadd.s32 s7, s1;
	s10 =	sshrl.u32 s10, $0x2;
	s7 =	sadd.s32 s7, s3  }
0xe: {  	s13 =	sadd.s32 s11, s2;
	s2 =	simm.s32 $0x14600;
	s0 =	sadd.s32 s6, s0  }
0xf: {  	s5 =	ssub.s32 s5, s9;
	s10 =	sadd.s32 s10, s3;
	s26 =	sshrl.u32 s22, $0x3  }
0x10: {  	s22 =	simm.s32 $0x14180;
	s12 =	sadd.s32 $0x4000, s10;
	[dreg:$0xb] =	wrdreg s26  }
0x11: {  	s9 =	simm.s32 $0x14780;
	s24 =	sadd.s32 $0x8000, s10;
	[dreg:$0x6] =	wrdreg s12  }
0x12: {  	s6 =	sadd.s32 s8, s0;
	s25 =	sadd.s32 $0xC000, s10;
	[dreg:$0x7] =	wrdreg s24  }
0x13: {  	s10 =	sadd.s32 $0x10000, s10;
	s0 =	sadd.s32 $0x50A00, s0;
	[dreg:$0x8] =	wrdreg s25  }
0x14: {  	s5 =	smax.u32 s5, $0x1;
	s26 =	simm.s32 $0x14300;
	[dreg:$0x9] =	wrdreg s10  }
0x15: {  	s6 =	sadd.s32 $0xA00, s6;
	[dreg:$0xa] =	wrdreg s5;
	s0 =	sadd.s32 s8, s0  }
0x16: {  	s25 =	simm.s32 $0x14280;
	s5 =	simm.s32 $0x14680;
	s8 =	simm.s32 $0x14700  }
0x17: {  	s10 =	simm.s32 $0x0;
	[dreg:$0x5] =	wrdreg s6;
	s6 =	sor.u32 $0x1C02, s23  }
0x18: {  	v0 =	vimm.f32 $0.0e+00;
	s23 =	simm.s32 $0x14200;
	[dreg:$0xc] =	wrdreg s0;
	s0 =	simm.s32 $0x14580  }
.LBB2_1:
0x19: {  	s12 =	simm.s32 $0x200;
	s11 =	simm.s32 $0x0  }
.LBB2_2:
0x1a: {  	p0 =	sne.s32 s12, $0xFE00;
	[tilespmem:s11+$0x14830] =	vst v0;
	s14 =	smov.u32 s12;
	s12 =	sadd.s32 $0x200, s12  }
.Ltmp0:
0x1b: {  	[tilespmem:s11+$0x14820] =	vst v0;
	(pc) =	sbr.rel @p0 .LBB2_2-.Ltmp0, $3  }
0x1c: {  	[tilespmem:s11+$0x14800] =	vst v0  }
0x1d: {  	[tilespmem:s11+$0x14810] =	vst v0;
	_ =	sdelay $0x1  }
0x1e: {  	s11 =	sshra.s32 s14, $0x2  }
0x1f: {  	[tilespmem:s11+$0x14830] =	vst v0  }
0x20: {  	[tilespmem:s11+$0x14820] =	vst v0  }
0x21: {  	[tilespmem:s11+$0x14800] =	vst v0;
	s24 =	rddreg [dreg:$0x5]  }
0x22: {  	[tilespmem:s11+$0x14810] =	vst v0;
	s12 =	rddreg [dreg:$0xb]  }
0x23: {  	[spmem:s12], [sflag:s6] =	dma.local [hbm:s24], $0x2800  }
0x24: {  	_ =	swait.ge [sflag:s15], $0x2800  }
0x25: {  	[sflag:s15] =	ssyncset.done $0x0  }
0x26: {  	[sflag:s15] =	ssyncadd.s32 $0xFFFFD800  }
0x27: {  	[spmem:s7] =	stream.linear.scatter [tilespmem:s16], [sflag:$0x2], $0x4000, $0x38;
	[tilespmem:$0x18800] =	vst v63  }
0x28: {  	_ =	swait.ge [sflag:s15], $0x4000  }
0x29: {  	[sflag:s15] =	ssyncset.done $0x0  }
0x2a: {  	s14 =	rddreg [dreg:$0x6];
	[sflag:s15] =	ssyncadd.s32 $0xFFFFC000  }
0x2b: {  	[spmem:s14] =	stream.linear.scatter [tilespmem:s16], [sflag:$0x2], $0x4000, $0x38;
	[tilespmem:$0x18800] =	vst v63  }
0x2c: {  	_ =	swait.ge [sflag:s15], $0x4000  }
0x2d: {  	[sflag:s15] =	ssyncset.done $0x0  }
0x2e: {  	s24 =	rddreg [dreg:$0x7];
	[sflag:s15] =	ssyncadd.s32 $0xFFFFC000  }
0x2f: {  	[spmem:s24] =	stream.linear.scatter [tilespmem:s16], [sflag:$0x2], $0x4000, $0x38;
	[tilespmem:$0x18800] =	vst v63  }
0x30: {  	_ =	swait.ge [sflag:s15], $0x4000  }
0x31: {  	[sflag:s15] =	ssyncset.done $0x0  }
0x32: {  	s12 =	rddreg [dreg:$0x8];
	[sflag:s15] =	ssyncadd.s32 $0xFFFFC000  }
0x33: {  	[spmem:s12] =	stream.linear.scatter [tilespmem:s16], [sflag:$0x2], $0x4000, $0x38;
	[tilespmem:$0x18800] =	vst v63  }
0x34: {  	_ =	swait.ge [sflag:s15], $0x4000  }
0x35: {  	[sflag:s15] =	ssyncset.done $0x0  }
0x36: {  	s14 =	rddreg [dreg:$0x9];
	[sflag:s15] =	ssyncadd.s32 $0xFFFFC000  }
0x37: {  	[spmem:s14] =	stream.linear.scatter [tilespmem:s16], [sflag:$0x2], $0x4000, $0x38;
	[tilespmem:$0x18800] =	vst v63  }
0x38: {  	_ =	swait.ge [sflag:s15], $0x4000  }
0x39: {  	[sflag:s15] =	ssyncset.done $0x0  }
0x3a: {  	[sflag:s15] =	ssyncadd.s32 $0xFFFFC000  }
0x3b: {  	s24 =	sadd.s32 $0x0, s13;
	[bflag:$0x0] =	sbarrier.arrive $0xFFFF  }
0x3c: {  	[tilespmem:s17], [sflag:$0x2] =	stream.linear.gather [hbm4b:s24+s4], $0x800, $0x38;
	[tilespmem:$0x18800] =	vst v63  }
0x3d: {  	_ =	swait.ge [sflag:s15], $0x800  }
0x3e: {  	[sflag:s15] =	ssyncset.done $0x0  }
0x3f: {  	[sflag:s15] =	ssyncadd.s32 $0xFFFFF800  }
0x40: {  	[tilespmem:s16], [sflag:$0x1] =	stream.indirect.gather [spmem:s1], $0x40, s17, s18, $0xb8;
	[tilespmem:$0x18800] =	vst v63  }
0x41: {  	_ =	swait.ge [sflag:s19], $0x2000  }
0x42: {  	[sflag:s19] =	ssyncset.done $0x0  }
0x43: {  	[sflag:s19] =	ssyncadd.s32 $0xFFFFE000  }
0x44: {  	[spmem:s3] =	stream.indirect.scatter.add.f32 [tilespmem:s16], [sflag:$0x2], $0x40, s20, s18, $0xb8;
	[tilespmem:$0x18800] =	vst v63  }
0x45: {  	_ =	swait.ge [sflag:s15], $0x2000  }
0x46: {  	[sflag:s15] =	ssyncset.done $0x0  }
0x47: {  	[sflag:s15] =	ssyncadd.s32 $0xFFFFE000  }
0x48: {  	[tilespmem:s16], [sflag:$0x1] =	stream.indirect.gather [spmem:s1], $0x40, s21, s18, $0xb8;
	[tilespmem:$0x18800] =	vst v63  }
0x49: {  	_ =	swait.ge [sflag:s19], $0x2000  }
0x4a: {  	[sflag:s19] =	ssyncset.done $0x0  }
0x4b: {  	[sflag:s19] =	ssyncadd.s32 $0xFFFFE000  }
0x4c: {  	[spmem:s3] =	stream.indirect.scatter.add.f32 [tilespmem:s16], [sflag:$0x2], $0x40, s22, s18, $0xb8;
	[tilespmem:$0x18800] =	vst v63  }
0x4d: {  	_ =	swait.ge [sflag:s15], $0x2000  }
0x4e: {  	[sflag:s15] =	ssyncset.done $0x0  }
0x4f: {  	[sflag:s15] =	ssyncadd.s32 $0xFFFFE000  }
0x50: {  	[tilespmem:s16], [sflag:$0x1] =	stream.indirect.gather [spmem:s1], $0x40, s23, s18, $0xb8;
	[tilespmem:$0x18800] =	vst v63  }
0x51: {  	_ =	swait.ge [sflag:s19], $0x2000  }
0x52: {  	[sflag:s19] =	ssyncset.done $0x0  }
0x53: {  	[sflag:s19] =	ssyncadd.s32 $0xFFFFE000  }
0x54: {  	[spmem:s3] =	stream.indirect.scatter.add.f32 [tilespmem:s16], [sflag:$0x2], $0x40, s25, s18, $0xb8;
	[tilespmem:$0x18800] =	vst v63  }
0x55: {  	_ =	swait.ge [sflag:s15], $0x2000  }
0x56: {  	[sflag:s15] =	ssyncset.done $0x0  }
0x57: {  	[sflag:s15] =	ssyncadd.s32 $0xFFFFE000  }
0x58: {  	[tilespmem:s16], [sflag:$0x1] =	stream.indirect.gather [spmem:s1], $0x40, s26, s18, $0xb8;
	[tilespmem:$0x18800] =	vst v63  }
0x59: {  	_ =	swait.ge [sflag:s19], $0x2000  }
0x5a: {  	[sflag:s19] =	ssyncset.done $0x0  }
0x5b: {  	[sflag:s19] =	ssyncadd.s32 $0xFFFFE000  }
0x5c: {  	[spmem:s3] =	stream.indirect.scatter.add.f32 [tilespmem:s16], [sflag:$0x2], $0x40, s28, s18, $0xb8;
	[tilespmem:$0x18800] =	vst v63  }
0x5d: {  	_ =	swait.ge [sflag:s15], $0x2000  }
0x5e: {  	[sflag:s15] =	ssyncset.done $0x0  }
0x5f: {  	[sflag:s15] =	ssyncadd.s32 $0xFFFFE000  }
0x60: {  	[tilespmem:s16], [sflag:$0x1] =	stream.indirect.gather [spmem:s1], $0x40, s29, s18, $0xb8;
	[tilespmem:$0x18800] =	vst v63  }
0x61: {  	_ =	swait.ge [sflag:s19], $0x2000  }
0x62: {  	[sflag:s19] =	ssyncset.done $0x0  }
0x63: {  	[sflag:s19] =	ssyncadd.s32 $0xFFFFE000  }
0x64: {  	[spmem:s3] =	stream.indirect.scatter.add.f32 [tilespmem:s16], [sflag:$0x2], $0x40, s30, s18, $0xb8;
	[tilespmem:$0x18800] =	vst v63  }
0x65: {  	_ =	swait.ge [sflag:s15], $0x2000  }
0x66: {  	[sflag:s15] =	ssyncset.done $0x0  }
0x67: {  	[sflag:s15] =	ssyncadd.s32 $0xFFFFE000  }
0x68: {  	[tilespmem:s16], [sflag:$0x1] =	stream.indirect.gather [spmem:s1], $0x40, s31, s18, $0xb8;
	[tilespmem:$0x18800] =	vst v63  }
0x69: {  	_ =	swait.ge [sflag:s19], $0x2000  }
0x6a: {  	[sflag:s19] =	ssyncset.done $0x0  }
0x6b: {  	[sflag:s19] =	ssyncadd.s32 $0xFFFFE000  }
0x6c: {  	[spmem:s3] =	stream.indirect.scatter.add.f32 [tilespmem:s16], [sflag:$0x2], $0x40, s0, s18, $0xb8;
	[tilespmem:$0x18800] =	vst v63  }
0x6d: {  	_ =	swait.ge [sflag:s15], $0x2000  }
0x6e: {  	[sflag:s15] =	ssyncset.done $0x0  }
0x6f: {  	[sflag:s15] =	ssyncadd.s32 $0xFFFFE000  }
0x70: {  	[tilespmem:s16], [sflag:$0x1] =	stream.indirect.gather [spmem:s1], $0x40, s2, s18, $0xb8;
	[tilespmem:$0x18800] =	vst v63  }
0x71: {  	_ =	swait.ge [sflag:s19], $0x2000  }
0x72: {  	[sflag:s19] =	ssyncset.done $0x0  }
0x73: {  	[sflag:s19] =	ssyncadd.s32 $0xFFFFE000  }
0x74: {  	[spmem:s3] =	stream.indirect.scatter.add.f32 [tilespmem:s16], [sflag:$0x2], $0x40, s5, s18, $0xb8;
	[tilespmem:$0x18800] =	vst v63  }
0x75: {  	_ =	swait.ge [sflag:s15], $0x2000  }
0x76: {  	[sflag:s15] =	ssyncset.done $0x0  }
0x77: {  	[sflag:s15] =	ssyncadd.s32 $0xFFFFE000  }
0x78: {  	[tilespmem:s16], [sflag:$0x1] =	stream.indirect.gather [spmem:s1], $0x40, s8, s18, $0xb8;
	[tilespmem:$0x18800] =	vst v63  }
0x79: {  	_ =	swait.ge [sflag:s19], $0x2000  }
0x7a: {  	[sflag:s19] =	ssyncset.done $0x0  }
0x7b: {  	[sflag:s19] =	ssyncadd.s32 $0xFFFFE000  }
0x7c: {  	[spmem:s3] =	stream.indirect.scatter.add.f32 [tilespmem:s16], [sflag:$0x2], $0x40, s9, s18, $0xb8;
	[tilespmem:$0x18800] =	vst v63  }
0x7d: {  	_ =	swait.ge [sflag:s15], $0x2000  }
0x7e: {  	s11 =	simm.s32 $0x100;
	s12 =	simm.s32 $0x200;
	[sflag:s15] =	ssyncset.done $0x0  }
.LBB2_4:
0x7f: {  	s24 =	sadd.s32 s11, s13  }
0x80: {  	[sflag:s15] =	ssyncadd.s32 $0xFFFFE000;
	s11 =	smov.u32 s12;
	s14 =	sadd.s32 $0x100, s12  }
0x81: {  	[tilespmem:s17], [sflag:$0x2] =	stream.linear.gather [hbm4b:s24+s4], $0x800, $0x38;
	[tilespmem:$0x18800] =	vst v63  }
0x82: {  	p0 =	sne.s32 s12, $0x1300;
	_ =	swait.ge [sflag:s15], $0x800  }
0x83: {  	[sflag:s15] =	ssyncset.done $0x0  }
0x84: {  	[sflag:s15] =	ssyncadd.s32 $0xFFFFF800  }
0x85: {  	[tilespmem:s16], [sflag:$0x1] =	stream.indirect.gather [spmem:s1], $0x40, s17, s18, $0xb8;
	[tilespmem:$0x18800] =	vst v63  }
0x86: {  	_ =	swait.ge [sflag:s19], $0x2000  }
0x87: {  	[sflag:s19] =	ssyncset.done $0x0  }
0x88: {  	[sflag:s19] =	ssyncadd.s32 $0xFFFFE000  }
0x89: {  	[spmem:s3] =	stream.indirect.scatter.add.f32 [tilespmem:s16], [sflag:$0x2], $0x40, s20, s18, $0xb8;
	[tilespmem:$0x18800] =	vst v63  }
0x8a: {  	_ =	swait.ge [sflag:s15], $0x2000  }
0x8b: {  	[sflag:s15] =	ssyncset.done $0x0  }
0x8c: {  	[sflag:s15] =	ssyncadd.s32 $0xFFFFE000  }
0x8d: {  	[tilespmem:s16], [sflag:$0x1] =	stream.indirect.gather [spmem:s1], $0x40, s21, s18, $0xb8;
	[tilespmem:$0x18800] =	vst v63  }
0x8e: {  	_ =	swait.ge [sflag:s19], $0x2000  }
0x8f: {  	[sflag:s19] =	ssyncset.done $0x0  }
0x90: {  	[sflag:s19] =	ssyncadd.s32 $0xFFFFE000  }
0x91: {  	[spmem:s3] =	stream.indirect.scatter.add.f32 [tilespmem:s16], [sflag:$0x2], $0x40, s22, s18, $0xb8;
	[tilespmem:$0x18800] =	vst v63  }
0x92: {  	_ =	swait.ge [sflag:s15], $0x2000  }
0x93: {  	[sflag:s15] =	ssyncset.done $0x0  }
0x94: {  	[sflag:s15] =	ssyncadd.s32 $0xFFFFE000  }
0x95: {  	[tilespmem:s16], [sflag:$0x1] =	stream.indirect.gather [spmem:s1], $0x40, s23, s18, $0xb8;
	[tilespmem:$0x18800] =	vst v63  }
0x96: {  	_ =	swait.ge [sflag:s19], $0x2000  }
0x97: {  	[sflag:s19] =	ssyncset.done $0x0  }
0x98: {  	[sflag:s19] =	ssyncadd.s32 $0xFFFFE000  }
0x99: {  	[spmem:s3] =	stream.indirect.scatter.add.f32 [tilespmem:s16], [sflag:$0x2], $0x40, s25, s18, $0xb8;
	[tilespmem:$0x18800] =	vst v63  }
0x9a: {  	_ =	swait.ge [sflag:s15], $0x2000  }
0x9b: {  	[sflag:s15] =	ssyncset.done $0x0  }
0x9c: {  	[sflag:s15] =	ssyncadd.s32 $0xFFFFE000  }
0x9d: {  	[tilespmem:s16], [sflag:$0x1] =	stream.indirect.gather [spmem:s1], $0x40, s26, s18, $0xb8;
	[tilespmem:$0x18800] =	vst v63  }
0x9e: {  	_ =	swait.ge [sflag:s19], $0x2000  }
0x9f: {  	[sflag:s19] =	ssyncset.done $0x0  }
0xa0: {  	[sflag:s19] =	ssyncadd.s32 $0xFFFFE000  }
0xa1: {  	[spmem:s3] =	stream.indirect.scatter.add.f32 [tilespmem:s16], [sflag:$0x2], $0x40, s28, s18, $0xb8;
	[tilespmem:$0x18800] =	vst v63  }
0xa2: {  	_ =	swait.ge [sflag:s15], $0x2000  }
0xa3: {  	[sflag:s15] =	ssyncset.done $0x0  }
0xa4: {  	[sflag:s15] =	ssyncadd.s32 $0xFFFFE000  }
0xa5: {  	[tilespmem:s16], [sflag:$0x1] =	stream.indirect.gather [spmem:s1], $0x40, s29, s18, $0xb8;
	[tilespmem:$0x18800] =	vst v63  }
0xa6: {  	_ =	swait.ge [sflag:s19], $0x2000  }
0xa7: {  	[sflag:s19] =	ssyncset.done $0x0  }
0xa8: {  	[sflag:s19] =	ssyncadd.s32 $0xFFFFE000  }
0xa9: {  	[spmem:s3] =	stream.indirect.scatter.add.f32 [tilespmem:s16], [sflag:$0x2], $0x40, s30, s18, $0xb8;
	[tilespmem:$0x18800] =	vst v63  }
0xaa: {  	_ =	swait.ge [sflag:s15], $0x2000  }
0xab: {  	[sflag:s15] =	ssyncset.done $0x0  }
0xac: {  	[sflag:s15] =	ssyncadd.s32 $0xFFFFE000  }
0xad: {  	[tilespmem:s16], [sflag:$0x1] =	stream.indirect.gather [spmem:s1], $0x40, s31, s18, $0xb8;
	[tilespmem:$0x18800] =	vst v63  }
0xae: {  	_ =	swait.ge [sflag:s19], $0x2000  }
0xaf: {  	[sflag:s19] =	ssyncset.done $0x0  }
0xb0: {  	[sflag:s19] =	ssyncadd.s32 $0xFFFFE000  }
0xb1: {  	[spmem:s3] =	stream.indirect.scatter.add.f32 [tilespmem:s16], [sflag:$0x2], $0x40, s0, s18, $0xb8;
	[tilespmem:$0x18800] =	vst v63  }
0xb2: {  	_ =	swait.ge [sflag:s15], $0x2000  }
0xb3: {  	[sflag:s15] =	ssyncset.done $0x0  }
0xb4: {  	[sflag:s15] =	ssyncadd.s32 $0xFFFFE000  }
0xb5: {  	[tilespmem:s16], [sflag:$0x1] =	stream.indirect.gather [spmem:s1], $0x40, s2, s18, $0xb8;
	[tilespmem:$0x18800] =	vst v63  }
0xb6: {  	_ =	swait.ge [sflag:s19], $0x2000  }
0xb7: {  	[sflag:s19] =	ssyncset.done $0x0  }
0xb8: {  	[sflag:s19] =	ssyncadd.s32 $0xFFFFE000  }
0xb9: {  	[spmem:s3] =	stream.indirect.scatter.add.f32 [tilespmem:s16], [sflag:$0x2], $0x40, s5, s18, $0xb8;
	[tilespmem:$0x18800] =	vst v63  }
0xba: {  	_ =	swait.ge [sflag:s15], $0x2000  }
0xbb: {  	[sflag:s15] =	ssyncset.done $0x0  }
0xbc: {  	[sflag:s15] =	ssyncadd.s32 $0xFFFFE000  }
0xbd: {  	[tilespmem:s16], [sflag:$0x1] =	stream.indirect.gather [spmem:s1], $0x40, s8, s18, $0xb8;
	[tilespmem:$0x18800] =	vst v63  }
0xbe: {  	_ =	swait.ge [sflag:s19], $0x2000  }
.Ltmp1:
0xbf: {  	[sflag:s19] =	ssyncset.done $0x0;
	(pc) =	sbr.rel @p0 .LBB2_4-.Ltmp1, $4  }
0xc0: {  	[sflag:s19] =	ssyncadd.s32 $0xFFFFE000  }
0xc1: {  	[spmem:s3] =	stream.indirect.scatter.add.f32 [tilespmem:s16], [sflag:$0x2], $0x40, s9, s18, $0xb8;
	[tilespmem:$0x18800] =	vst v63  }
0xc2: {  	_ =	swait.ge [sflag:s15], $0x2000  }
0xc3: {  	s12 =	smov.u32 s14;
	[sflag:s15] =	ssyncset.done $0x0  }
0xc4: {  	s11 =	sadd.s32 s11, s13;
	[sflag:s15] =	ssyncadd.s32 $0xFFFFE000  }
0xc5: {  	[tilespmem:s17], [sflag:$0x2] =	stream.linear.gather [hbm4b:s11+s4], $0x800, $0x38;
	[tilespmem:$0x18800] =	vst v63  }
0xc6: {  	_ =	swait.ge [sflag:s15], $0x800  }
0xc7: {  	[sflag:s15] =	ssyncset.done $0x0  }
0xc8: {  	[sflag:s15] =	ssyncadd.s32 $0xFFFFF800  }
0xc9: {  	[tilespmem:s16], [sflag:$0x1] =	stream.indirect.gather [spmem:s1], $0x40, s17, s18, $0xb8;
	[tilespmem:$0x18800] =	vst v63  }
0xca: {  	_ =	swait.ge [sflag:s19], $0x2000  }
0xcb: {  	[sflag:s19] =	ssyncset.done $0x0  }
0xcc: {  	[sflag:s19] =	ssyncadd.s32 $0xFFFFE000  }
0xcd: {  	[spmem:s3] =	stream.indirect.scatter.add.f32 [tilespmem:s16], [sflag:$0x2], $0x40, s20, s18, $0xb8;
	[tilespmem:$0x18800] =	vst v63  }
0xce: {  	_ =	swait.ge [sflag:s15], $0x2000  }
0xcf: {  	[sflag:s15] =	ssyncset.done $0x0  }
0xd0: {  	[sflag:s15] =	ssyncadd.s32 $0xFFFFE000  }
0xd1: {  	[tilespmem:s16], [sflag:$0x1] =	stream.indirect.gather [spmem:s1], $0x40, s21, s18, $0xb8;
	[tilespmem:$0x18800] =	vst v63  }
0xd2: {  	_ =	swait.ge [sflag:s19], $0x2000  }
0xd3: {  	[sflag:s19] =	ssyncset.done $0x0  }
0xd4: {  	[sflag:s19] =	ssyncadd.s32 $0xFFFFE000  }
0xd5: {  	[spmem:s3] =	stream.indirect.scatter.add.f32 [tilespmem:s16], [sflag:$0x2], $0x40, s22, s18, $0xb8;
	[tilespmem:$0x18800] =	vst v63  }
0xd6: {  	_ =	swait.ge [sflag:s15], $0x2000  }
0xd7: {  	[sflag:s15] =	ssyncset.done $0x0  }
0xd8: {  	[sflag:s15] =	ssyncadd.s32 $0xFFFFE000  }
0xd9: {  	[tilespmem:s16], [sflag:$0x1] =	stream.indirect.gather [spmem:s1], $0x40, s23, s18, $0xb8;
	[tilespmem:$0x18800] =	vst v63  }
0xda: {  	_ =	swait.ge [sflag:s19], $0x2000  }
0xdb: {  	[sflag:s19] =	ssyncset.done $0x0  }
0xdc: {  	[sflag:s19] =	ssyncadd.s32 $0xFFFFE000  }
0xdd: {  	[spmem:s3] =	stream.indirect.scatter.add.f32 [tilespmem:s16], [sflag:$0x2], $0x40, s25, s18, $0xb8;
	[tilespmem:$0x18800] =	vst v63  }
0xde: {  	_ =	swait.ge [sflag:s15], $0x2000  }
0xdf: {  	[sflag:s15] =	ssyncset.done $0x0  }
0xe0: {  	[sflag:s15] =	ssyncadd.s32 $0xFFFFE000  }
0xe1: {  	[tilespmem:s16], [sflag:$0x1] =	stream.indirect.gather [spmem:s1], $0x40, s26, s18, $0xb8;
	[tilespmem:$0x18800] =	vst v63  }
0xe2: {  	_ =	swait.ge [sflag:s19], $0x2000  }
0xe3: {  	[sflag:s19] =	ssyncset.done $0x0  }
0xe4: {  	[sflag:s19] =	ssyncadd.s32 $0xFFFFE000  }
0xe5: {  	[spmem:s3] =	stream.indirect.scatter.add.f32 [tilespmem:s16], [sflag:$0x2], $0x40, s28, s18, $0xb8;
	[tilespmem:$0x18800] =	vst v63  }
0xe6: {  	_ =	swait.ge [sflag:s15], $0x2000  }
0xe7: {  	[sflag:s15] =	ssyncset.done $0x0  }
0xe8: {  	[sflag:s15] =	ssyncadd.s32 $0xFFFFE000  }
0xe9: {  	[tilespmem:s16], [sflag:$0x1] =	stream.indirect.gather [spmem:s1], $0x40, s29, s18, $0xb8;
	[tilespmem:$0x18800] =	vst v63  }
0xea: {  	_ =	swait.ge [sflag:s19], $0x2000  }
0xeb: {  	[sflag:s19] =	ssyncset.done $0x0  }
0xec: {  	[sflag:s19] =	ssyncadd.s32 $0xFFFFE000  }
0xed: {  	[spmem:s3] =	stream.indirect.scatter.add.f32 [tilespmem:s16], [sflag:$0x2], $0x40, s30, s18, $0xb8;
	[tilespmem:$0x18800] =	vst v63  }
0xee: {  	_ =	swait.ge [sflag:s15], $0x2000  }
0xef: {  	[sflag:s15] =	ssyncset.done $0x0  }
0xf0: {  	[sflag:s15] =	ssyncadd.s32 $0xFFFFE000  }
0xf1: {  	[tilespmem:s16], [sflag:$0x1] =	stream.indirect.gather [spmem:s1], $0x40, s31, s18, $0xb8;
	[tilespmem:$0x18800] =	vst v63  }
0xf2: {  	_ =	swait.ge [sflag:s19], $0x2000  }
0xf3: {  	[sflag:s19] =	ssyncset.done $0x0  }
0xf4: {  	[sflag:s19] =	ssyncadd.s32 $0xFFFFE000  }
0xf5: {  	[spmem:s3] =	stream.indirect.scatter.add.f32 [tilespmem:s16], [sflag:$0x2], $0x40, s0, s18, $0xb8;
	[tilespmem:$0x18800] =	vst v63  }
0xf6: {  	_ =	swait.ge [sflag:s15], $0x2000  }
0xf7: {  	[sflag:s15] =	ssyncset.done $0x0  }
0xf8: {  	[sflag:s15] =	ssyncadd.s32 $0xFFFFE000  }
0xf9: {  	[tilespmem:s16], [sflag:$0x1] =	stream.indirect.gather [spmem:s1], $0x40, s2, s18, $0xb8;
	[tilespmem:$0x18800] =	vst v63  }
0xfa: {  	_ =	swait.ge [sflag:s19], $0x2000  }
0xfb: {  	[sflag:s19] =	ssyncset.done $0x0  }
0xfc: {  	[sflag:s19] =	ssyncadd.s32 $0xFFFFE000  }
0xfd: {  	[spmem:s3] =	stream.indirect.scatter.add.f32 [tilespmem:s16], [sflag:$0x2], $0x40, s5, s18, $0xb8;
	[tilespmem:$0x18800] =	vst v63  }
0xfe: {  	_ =	swait.ge [sflag:s15], $0x2000  }
0xff: {  	[sflag:s15] =	ssyncset.done $0x0  }
0x100: {  	[sflag:s15] =	ssyncadd.s32 $0xFFFFE000  }
0x101: {  	[tilespmem:s16], [sflag:$0x1] =	stream.indirect.gather [spmem:s1], $0x40, s8, s18, $0xb8;
	[tilespmem:$0x18800] =	vst v63  }
0x102: {  	_ =	swait.ge [sflag:s19], $0x2000  }
0x103: {  	[sflag:s19] =	ssyncset.done $0x0  }
0x104: {  	[sflag:s19] =	ssyncadd.s32 $0xFFFFE000  }
0x105: {  	[spmem:s3] =	stream.indirect.scatter.add.f32 [tilespmem:s16], [sflag:$0x2], $0x40, s9, s18, $0xb8;
	[tilespmem:$0x18800] =	vst v63  }
0x106: {  	_ =	swait.ge [sflag:s15], $0x2000  }
0x107: {  	[sflag:s15] =	ssyncset.done $0x0  }
0x108: {  	[sflag:s15] =	ssyncadd.s32 $0xFFFFE000  }
0x109: {  	[bflag:$0x0] =	sbarrier.arrive $0xFFFF  }
0x10a: {  	s14 =	sshrl.u32 s7, $0x3;
	s12 =	rddreg [dreg:$0xc]  }
0x10b: {  	[hbm:s12], [sflag:s6] =	dma.local [spmem:s14], $0x2800  }
0x10c: {  	_ =	swait.ge [sflag:s15], $0x2800  }
0x10d: {  	s10 =	sadd.s32 $0x1, s10;
	s24 =	rddreg [dreg:$0xa]  }
0x10e: {  	p0 =	sne.s32 s10, s24  }
.Ltmp2:
0x10f: {  	_ = 	snop;
	(pc) =	sbr.rel @p0 .LBB2_1-.Ltmp2, $3  }
0x110: {  	_ =	sdelay $0x1  }
0x111: {  	[sflag:s15] =	ssyncset.done $0x0  }
0x112: {  	[sflag:s15] =	ssyncadd.s32 $0xFFFFD800  }
0x113: {  	_ =	sfence.sel $0x180000  }
0x114: {  	[bflag:$0x0] =	sbarrier.arrive $0xFFFF  }
0x115: {  	_ =	strace $0x90000047  }
0x116: {  	s0 =	stileid.u32;
	[bflag:$0x2] =	sbarrier.arrive $0xFFFF  }
0x117: {  	p0 =	sne.s32 s0, $0x0;
	s0 =	rddreg [dreg:$0x4]  }
0x118: {  	s0 =	sadd.s32 @!p0 $0x100000, s0  }
0x119: {  	[sflag:s0] =	ssyncadd.tile.s32 @!p0 $0x1;
	_ =	shalt  }
.Lfunc_end2:
_tile_overlayer_lowered:
.L_overlay_start_2:
0x11a: {  	(tag) =	ssettag $0x2  }
0x11b: {  	s0 =	rddreg [dreg:$0x0];
	s2 =	stileid.u32  }
0x11c: {  	s1 =	rddreg [dreg:$0x1];
	p0 =	sne.s32 s2, $0x0  }
0x11d: {  	s3 =	rddreg [dreg:$0x2];
	[bflag:$0x3] =	sbarrier.arrive $0xFFFF;
	s2 =	simm.s32 @!p0 $0x1C02  }
0x11e: {  	[timem:s3], [sflag:s2] =	dma.local @!p0 [hbm:s0], s1  }
0x11f: {  	s0 =	simm.s32 @!p0 $0x2  }
0x120: {  	_ =	swait.ge @!p0 [sflag:s0], s1  }
0x121: {  	s1 =	ssub.s32 @!p0 $0x0, s1;
	[sflag:s0] =	ssyncset.done @!p0 $0x0  }
0x122: {  	[sflag:s0] =	ssyncadd.s32 @!p0 s1  }
0x123: {  	[bflag:$0x3] =	sbarrier.arrive $0xFFFF  }
0x124: {  	_ =	shalt  }

</sc_bundles>
